<compile_context>
chip_gen: v7x
topology: tpu7x:2x2x1
jax: 0.10.2.dev20260603
libtpu: 0.0.44.dev20260713+nightly
codegen_flags: <defaults>
</compile_context>

<pallas_src>
import functools

import jax
import jax.numpy as jnp
from jax import lax
from jax.experimental import pallas as pl
from jax.experimental.pallas import tpu as pltpu
from jax.experimental.pallas import tpu_sc as plsc

B = 1024
REPR_DIM = 4096
FEATURE_DIM = 512
HIDDEN_DIM = 1024
STATE_DIM = 64
GATE_DIM = 256
MOE_HIDDEN = 256
NUM_EXPERTS = 32
TOP_K = 4
ACTION_DIM = 12

BB = 256
NB = B // BB
M_TILE = 128
NBLK = 64
NSLOT = NBLK * M_TILE
NW = 32
TPW = B // NW


def _bdot(a, b):
    return jnp.dot(a.astype(jnp.bfloat16), b.astype(jnp.bfloat16),
                   preferred_element_type=jnp.float32)


def _k1_body(obs_ref, obs_sensor_ref, W_t_ref, b_t_ref, ln_g_ref, ln_b_ref,
             W_s1_ref, b_s1_ref, W_s2_ref, b_s2_ref, W_f1_ref, b_f1_ref,
             W_f2_ref, b_f2_ref, W_p1_ref, b_p1_ref, W_g1_ref, b_g1_ref,
             W_g2_ref, b_g2_ref,
             x_out_ref, topw_ref, slot2d_ref, be_ref, aux_out_ref,
             acc_ref, run_ref, topi_s_ref, rank_s_ref):
    b = pl.program_id(0)
    f32 = jnp.float32
    E = NUM_EXPERTS

    obs = obs_ref[...]
    h0 = _bdot(obs, W_t_ref[...]) + b_t_ref[...]
    mu = jnp.mean(h0, axis=-1, keepdims=True)
    var = jnp.mean((h0 - mu) ** 2, axis=-1, keepdims=True)
    h = jnp.tanh((h0 - mu) / jnp.sqrt(var + 1e-5) * ln_g_ref[...] + ln_b_ref[...])

    s1 = jax.nn.relu(_bdot(obs_sensor_ref[...], W_s1_ref[...]) + b_s1_ref[...])
    h = h + _bdot(s1, W_s2_ref[...]) + b_s2_ref[...]
    f1 = jax.nn.relu(_bdot(h, W_f1_ref[...]) + b_f1_ref[...])
    h = _bdot(f1, W_f2_ref[...]) + b_f2_ref[...]
    x = jax.nn.relu(_bdot(h, W_p1_ref[...]) + b_p1_ref[...])
    x_out_ref[...] = x

    g1 = jax.nn.relu(
        jnp.dot(x, W_g1_ref[...], preferred_element_type=f32) + b_g1_ref[...])
    gl = jnp.dot(g1, W_g2_ref[...], preferred_element_type=f32) + b_g2_ref[...]

    m = jnp.max(gl, axis=-1, keepdims=True)
    ex = jnp.exp(gl - m)
    p = ex / jnp.sum(ex, axis=-1, keepdims=True)

    @pl.when(b == 0)
    def _():
        acc_ref[...] = jnp.zeros_like(acc_ref)
        run_ref[...] = jnp.zeros_like(run_ref)

    tri = (lax.broadcasted_iota(jnp.int32, (E, E), 0)
           <= lax.broadcasted_iota(jnp.int32, (E, E), 1)).astype(f32)
    slt = (lax.broadcasted_iota(jnp.int32, (BB, BB), 0)
           > lax.broadcasted_iota(jnp.int32, (BB, BB), 1)).astype(f32)
    lane_e = lax.broadcasted_iota(jnp.int32, (1, E), 1).astype(f32)
    rem = p
    sel = jnp.zeros_like(p)
    idx_cols = []
    val_cols = []
    rank_cols = []
    for _ in range(TOP_K):
        mk = jnp.max(rem, axis=-1, keepdims=True)
        hit = (rem == mk).astype(f32)
        cs = jnp.dot(hit, tri, preferred_element_type=f32)
        first = hit * (cs == 1.0).astype(f32)
        idx_cols.append(jnp.sum(first * lane_e, axis=-1, keepdims=True))
        val_cols.append(jnp.sum(first * p, axis=-1, keepdims=True))
        wk = jnp.dot(slt, first, preferred_element_type=f32)
        run_row = run_ref[0:1, :]
        rank_cols.append(
            jnp.sum(first * (run_row + wk), axis=-1, keepdims=True))
        run_ref[0:1, :] = run_row + jnp.sum(first, axis=0, keepdims=True)
        sel = sel + first
        rem = rem - first * (rem + 1.0)
    topv = jnp.concatenate(val_cols, axis=-1)
    topsum = jnp.sum(topv, axis=-1, keepdims=True)
    topw_ref[...] = topv / topsum
    topi_s_ref[pl.ds(b * BB, BB), :] = jnp.concatenate(idx_cols, axis=-1)
    rank_s_ref[pl.ds(b * BB, BB), :] = jnp.concatenate(rank_cols, axis=-1)

    counts = jnp.sum(sel, axis=0, keepdims=True)
    psum = jnp.sum(p, axis=0, keepdims=True)
    part = jnp.concatenate([counts, psum, jnp.zeros((6, E), f32)], axis=0)
    acc_ref[...] += part
    aux = (E / (B * TOP_K * B)) * jnp.sum(acc_ref[0, :] * acc_ref[1, :])
    aux_out_ref[...] = jnp.full((8, 128), aux, f32)

    @pl.when(b == NB - 1)
    def _():
        g = acc_ref[0:1, :]
        pg = jnp.ceil(g / M_TILE) * M_TILE
        tri_strict = (lax.broadcasted_iota(jnp.int32, (E, E), 0)
                      < lax.broadcasted_iota(jnp.int32, (E, E), 1)).astype(f32)
        base = jnp.dot(pg, tri_strict, preferred_element_type=f32)

        lane_e_full = lax.broadcasted_iota(jnp.int32, (1, E), 1).astype(f32)
        slot_cols = []
        for k in range(TOP_K):
            oh = (topi_s_ref[:, k:k + 1] == lane_e_full).astype(f32)
            slot_col = (jnp.sum(oh * base, axis=-1, keepdims=True)
                        + rank_s_ref[:, k:k + 1])
            slot_cols.append(slot_col)
        slot2d_ref[...] = jnp.concatenate(slot_cols, axis=-1).astype(jnp.int32)

        startblk = base / M_TILE
        jcol = lax.broadcasted_iota(jnp.int32, (NBLK, 1), 0).astype(f32)
        cnt = jnp.sum((startblk <= jcol).astype(f32), axis=-1,
                      keepdims=True)
        bemap = jnp.broadcast_to((cnt - 1.0).reshape(1, NBLK), (8, NBLK))
        nblk = jnp.sum(pg) / M_TILE
        rowsel = (lax.broadcasted_iota(jnp.int32, (8, NBLK), 0) == 1)
        be_ref[...] = jnp.where(rowsel, nblk, bemap).astype(jnp.int32)


def _k3_body(be_ref, xs_ref, w1_ref, b1_ref, w2_ref, b2_ref, os_ref):
    j = pl.program_id(0)

    @pl.when(j < be_ref[NBLK])
    def _():
        eh = jax.nn.relu(_bdot(xs_ref[...], w1_ref[0]) + b1_ref[0])
        os_ref[...] = _bdot(eh, w2_ref[0]) + b2_ref[0]


def _k5_body(g_ref, topw_ref, W_p2_ref, b_p2_ref, std_ref,
             mu_ref, std_out_ref):
    f32 = jnp.float32
    tw = topw_ref[...]
    y = jnp.zeros((BB, HIDDEN_DIM), f32)
    for k in range(TOP_K):
        oh = (lax.broadcasted_iota(jnp.int32, (TOP_K, 1), 0) == k).astype(f32)
        wcol = jnp.dot(tw, oh, preferred_element_type=f32)
        y = y + wcol * g_ref[:, k * HIDDEN_DIM:(k + 1) * HIDDEN_DIM].astype(f32)
    muv = jnp.tanh(_bdot(jax.nn.relu(y), W_p2_ref[...]) + b_p2_ref[...])
    mu_ref[...] = muv
    std_out_ref[...] = jnp.full((BB, ACTION_DIM), std_ref[0, 0], f32)


def _sc_router_body(x_hbm, sk0_hbm, sk1_hbm, sk2_hbm, sk3_hbm, xs_hbm,
                    xrows_v, slotk_v, sem):
    w = lax.axis_index("s") * 2 + lax.axis_index("c")
    base = w * TPW
    loads = [pltpu.async_copy(x_hbm.at[pl.ds(base, TPW)], xrows_v, sem)]
    for k, sk in enumerate((sk0_hbm, sk1_hbm, sk2_hbm, sk3_hbm)):
        loads.append(pltpu.async_copy(sk.at[pl.ds(base, TPW)],
                                      slotk_v.at[k], sem))
    for c in loads:
        c.wait()
    scats = [pltpu.async_copy(xrows_v, xs_hbm.at[slotk_v.at[k]], sem)
             for k in range(TOP_K)]
    for c in scats:
        c.wait()


def _sc_gather_body(slots_hbm, os_hbm, g_hbm, slots_v, rows0_v, rows1_v,
                    sem_g, sem_p):
    w = lax.axis_index("s") * 2 + lax.axis_index("c")
    pltpu.sync_copy(slots_hbm.at[pl.ds(w * 4, 4)], slots_v)
    bufs = (rows0_v, rows1_v)
    CH = 32
    puts = [None, None]
    for c in range(4):
        buf = bufs[c % 2]
        if puts[c % 2] is not None:
            puts[c % 2].wait()
        get = pltpu.async_copy(os_hbm.at[slots_v.at[c]], buf, sem_g)
        get.wait()
        puts[c % 2] = pltpu.async_copy(
            buf, g_hbm.at[pl.ds(w * TPW * TOP_K + c * CH, CH)], sem_p)
    puts[0].wait()
    puts[1].wait()


def kernel(obs, std, obs_sensor, W_t, b_t, ln_g, ln_b, W_s1, b_s1, W_s2, b_s2,
           W_f1, b_f1, W_f2, b_f2, W_p1, b_p1, W_g1, b_g1, W_g2, b_g2,
           W_e1, b_e1, W_e2, b_e2, W_p2, b_p2):
    f32 = jnp.float32
    i32 = jnp.int32
    bf16 = jnp.bfloat16
    r2 = lambda v: v.reshape(1, -1)
    const = lambda shape: pl.BlockSpec(shape, lambda b: tuple(0 for _ in shape))
    W_t, W_s1, W_s2, W_f1, W_f2, W_p1, W_e1, W_e2, W_p2 = (
        w.astype(bf16) for w in (W_t, W_s1, W_s2, W_f1, W_f2, W_p1,
                                 W_e1, W_e2, W_p2))

    x_out, topw, slot2d, be2d, auxmat = pl.pallas_call(
        _k1_body,
        grid=(NB,),
        in_specs=[
            pl.BlockSpec((BB, REPR_DIM), lambda b: (b, 0)),
            pl.BlockSpec((BB, STATE_DIM), lambda b: (b, 0)),
            const((REPR_DIM, FEATURE_DIM)),
            const((1, FEATURE_DIM)),
            const((1, FEATURE_DIM)),
            const((1, FEATURE_DIM)),
            const((STATE_DIM, HIDDEN_DIM)),
            const((1, HIDDEN_DIM)),
            const((HIDDEN_DIM, FEATURE_DIM)),
            const((1, FEATURE_DIM)),
            const((FEATURE_DIM, HIDDEN_DIM)),
            const((1, HIDDEN_DIM)),
            const((HIDDEN_DIM, FEATURE_DIM)),
            const((1, FEATURE_DIM)),
            const((FEATURE_DIM, HIDDEN_DIM)),
            const((1, HIDDEN_DIM)),
            const((HIDDEN_DIM, GATE_DIM)),
            const((1, GATE_DIM)),
            const((GATE_DIM, NUM_EXPERTS)),
            const((1, NUM_EXPERTS)),
        ],
        out_specs=[
            pl.BlockSpec((BB, HIDDEN_DIM), lambda b: (b, 0)),
            pl.BlockSpec((BB, TOP_K), lambda b: (b, 0)),
            const((B, TOP_K)),
            const((8, NBLK)),
            const((8, 128)),
        ],
        out_shape=[
            jax.ShapeDtypeStruct((B, HIDDEN_DIM), f32),
            jax.ShapeDtypeStruct((B, TOP_K), f32),
            jax.ShapeDtypeStruct((B, TOP_K), i32),
            jax.ShapeDtypeStruct((8, NBLK), i32),
            jax.ShapeDtypeStruct((8, 128), f32),
        ],
        scratch_shapes=[pltpu.VMEM((8, NUM_EXPERTS), f32),
                        pltpu.VMEM((1, NUM_EXPERTS), f32),
                        pltpu.VMEM((B, TOP_K), f32),
                        pltpu.VMEM((B, TOP_K), f32)],
    )(obs, obs_sensor, W_t, r2(b_t), r2(ln_g), r2(ln_b), W_s1, r2(b_s1),
      W_s2, r2(b_s2), W_f1, r2(b_f1), W_f2, r2(b_f2), W_p1, r2(b_p1),
      W_g1, r2(b_g1), W_g2, r2(b_g2))

    mesh = plsc.VectorSubcoreMesh(core_axis_name="c", subcore_axis_name="s")

    router = functools.partial(
        pl.kernel, mesh=mesh,
        out_type=jax.ShapeDtypeStruct((NSLOT, HIDDEN_DIM), f32),
        scratch_types=[
            pltpu.VMEM((TPW, HIDDEN_DIM), f32),
            pltpu.VMEM((TOP_K, TPW), i32),
            pltpu.SemaphoreType.DMA,
        ],
    )(_sc_router_body)
    x_sorted = router(x_out, slot2d[:, 0], slot2d[:, 1],
                      slot2d[:, 2], slot2d[:, 3])

    def _clamp(j, be):
        return jnp.minimum(j, be[NBLK] - 1)

    os_sorted = pl.pallas_call(
        _k3_body,
        grid_spec=pltpu.PrefetchScalarGridSpec(
            num_scalar_prefetch=1,
            grid=(NBLK,),
            in_specs=[
                pl.BlockSpec((M_TILE, HIDDEN_DIM),
                             lambda j, be: (_clamp(j, be), 0)),
                pl.BlockSpec((1, HIDDEN_DIM, MOE_HIDDEN),
                             lambda j, be: (be[_clamp(j, be)], 0, 0)),
                pl.BlockSpec((1, 1, MOE_HIDDEN),
                             lambda j, be: (be[_clamp(j, be)], 0, 0)),
                pl.BlockSpec((1, MOE_HIDDEN, HIDDEN_DIM),
                             lambda j, be: (be[_clamp(j, be)], 0, 0)),
                pl.BlockSpec((1, 1, HIDDEN_DIM),
                             lambda j, be: (be[_clamp(j, be)], 0, 0)),
            ],
            out_specs=pl.BlockSpec((M_TILE, HIDDEN_DIM),
                                   lambda j, be: (_clamp(j, be), 0)),
        ),
        out_shape=jax.ShapeDtypeStruct((NSLOT, HIDDEN_DIM), f32),
    )(be2d[:2].reshape(-1), x_sorted, W_e1, b_e1[:, None, :],
      W_e2, b_e2[:, None, :])

    gatherer = functools.partial(
        pl.kernel, mesh=mesh,
        out_type=jax.ShapeDtypeStruct((B * TOP_K, HIDDEN_DIM), f32),
        scratch_types=[
            pltpu.VMEM((4, 32), i32),
            pltpu.VMEM((32, HIDDEN_DIM), f32),
            pltpu.VMEM((32, HIDDEN_DIM), f32),
            pltpu.SemaphoreType.DMA,
            pltpu.SemaphoreType.DMA,
        ],
    )(_sc_gather_body)
    g = gatherer(slot2d.reshape(B * TOP_K // 32, 32), os_sorted)

    mu_out, std_out = pl.pallas_call(
        _k5_body,
        grid=(NB,),
        in_specs=[
            pl.BlockSpec((BB, TOP_K * HIDDEN_DIM), lambda b: (b, 0)),
            pl.BlockSpec((BB, TOP_K), lambda b: (b, 0)),
            const((HIDDEN_DIM, ACTION_DIM)),
            const((1, ACTION_DIM)),
            pl.BlockSpec(memory_space=pltpu.SMEM),
        ],
        out_specs=[
            pl.BlockSpec((BB, ACTION_DIM), lambda b: (b, 0)),
            pl.BlockSpec((BB, ACTION_DIM), lambda b: (b, 0)),
        ],
        out_shape=[
            jax.ShapeDtypeStruct((B, ACTION_DIM), f32),
            jax.ShapeDtypeStruct((B, ACTION_DIM), f32),
        ],
    )(g.reshape(B, TOP_K * HIDDEN_DIM), topw, W_p2, r2(b_p2),
      std.reshape(1, 1))

    return (mu_out, std_out, auxmat[0, 0])

# --- scband reference (transcript-rebuilt; emitter-appended) ---
"""Pipeline reference for scband-actor-72679436583512 (READ-ONLY COPY).

The authoritative reference and input builder live on the scoring server;
editing this copy changes nothing except your own understanding.
"""

import jax, jax.numpy as jnp
import numpy as np

B = 1024
REPR_DIM = 4096
FEATURE_DIM = 512
HIDDEN_DIM = 1024
STATE_DIM = 64
GATE_DIM = 256
MOE_HIDDEN = 256
NUM_EXPERTS = 32
TOP_K = 4
ACTION_DIM = 12


def _w(k, shape, fan_in):
    return jax.random.normal(k, shape, jnp.float32) / np.sqrt(fan_in)


def setup_inputs(seed: int = 0) -> dict:
    key = jax.random.key(seed)
    ks = jax.random.split(key, 32)
    return {
        "obs": jax.random.normal(ks[0], (B, REPR_DIM), jnp.float32),
        "std": jax.random.uniform(ks[1], (1,), jnp.float32),
        "obs_sensor": jax.random.normal(ks[2], (B, STATE_DIM), jnp.float32),
        # trunk: Linear(repr_dim, feature_dim) + LayerNorm + Tanh
        "W_t": _w(ks[3], (REPR_DIM, FEATURE_DIM), REPR_DIM),
        "b_t": jnp.zeros((FEATURE_DIM,), jnp.float32),
        "ln_g": jnp.ones((FEATURE_DIM,), jnp.float32),
        "ln_b": jnp.zeros((FEATURE_DIM,), jnp.float32),
        # state encoder: Linear(state_dim, hidden) ReLU Linear(hidden, feature)
        "W_s1": _w(ks[4], (STATE_DIM, HIDDEN_DIM), STATE_DIM),
        "b_s1": jnp.zeros((HIDDEN_DIM,), jnp.float32),
        "W_s2": _w(ks[5], (HIDDEN_DIM, FEATURE_DIM), HIDDEN_DIM),
        "b_s2": jnp.zeros((FEATURE_DIM,), jnp.float32),
        # fusion: Linear(feature, hidden) ReLU Linear(hidden, feature)
        "W_f1": _w(ks[6], (FEATURE_DIM, HIDDEN_DIM), FEATURE_DIM),
        "b_f1": jnp.zeros((HIDDEN_DIM,), jnp.float32),
        "W_f2": _w(ks[7], (HIDDEN_DIM, FEATURE_DIM), HIDDEN_DIM),
        "b_f2": jnp.zeros((FEATURE_DIM,), jnp.float32),
        # policy1: Linear(feature, hidden) ReLU
        "W_p1": _w(ks[8], (FEATURE_DIM, HIDDEN_DIM), FEATURE_DIM),
        "b_p1": jnp.zeros((HIDDEN_DIM,), jnp.float32),
        # MoE gate: Linear(hidden, gate_dim) ReLU Linear(gate_dim, E)
        "W_g1": _w(ks[9], (HIDDEN_DIM, GATE_DIM), HIDDEN_DIM),
        "b_g1": jnp.zeros((GATE_DIM,), jnp.float32),
        "W_g2": _w(ks[10], (GATE_DIM, NUM_EXPERTS), GATE_DIM),
        "b_g2": jnp.zeros((NUM_EXPERTS,), jnp.float32),
        # MoE experts: per-expert MLP hidden -> moe_hidden -> hidden
        "W_e1": _w(ks[11], (NUM_EXPERTS, HIDDEN_DIM, MOE_HIDDEN), HIDDEN_DIM),
        "b_e1": jnp.zeros((NUM_EXPERTS, MOE_HIDDEN), jnp.float32),
        "W_e2": _w(ks[12], (NUM_EXPERTS, MOE_HIDDEN, HIDDEN_DIM), MOE_HIDDEN),
        "b_e2": jnp.zeros((NUM_EXPERTS, HIDDEN_DIM), jnp.float32),
        # policy2: ReLU Linear(hidden, action_dim)
        "W_p2": _w(ks[13], (HIDDEN_DIM, ACTION_DIM), HIDDEN_DIM),
        "b_p2": jnp.zeros((ACTION_DIM,), jnp.float32),
    }


def _layer_norm(x, g, b, eps=1e-5):
    mu = jnp.mean(x, axis=-1, keepdims=True)
    var = jnp.mean((x - mu) ** 2, axis=-1, keepdims=True)
    return (x - mu) / jnp.sqrt(var + eps) * g + b


def reference(obs, std, obs_sensor, W_t, b_t, ln_g, ln_b, W_s1, b_s1, W_s2, b_s2,
              W_f1, b_f1, W_f2, b_f2, W_p1, b_p1, W_g1, b_g1, W_g2, b_g2,
              W_e1, b_e1, W_e2, b_e2, W_p2, b_p2):
    # trunk
    h = jnp.tanh(_layer_norm(obs @ W_t + b_t, ln_g, ln_b))
    # state encoder + fusion
    state_en = jax.nn.relu(obs_sensor @ W_s1 + b_s1) @ W_s2 + b_s2
    h = h + state_en
    h = jax.nn.relu(h @ W_f1 + b_f1) @ W_f2 + b_f2
    # policy1
    x = jax.nn.relu(h @ W_p1 + b_p1)
    # MoE: top-k gated mixture of expert MLPs (dropout inactive in eval)
    gate_logits = jax.nn.relu(x @ W_g1 + b_g1) @ W_g2 + b_g2
    probs = jax.nn.softmax(gate_logits, axis=-1)
    topv, topi = jax.lax.top_k(probs, TOP_K)
    weights = topv / jnp.sum(topv, axis=-1, keepdims=True)
    onehot = jax.nn.one_hot(topi, NUM_EXPERTS, dtype=x.dtype)  # [B, K, E]
    combine = jnp.sum(onehot * weights[..., None], axis=1)     # [B, E]
    eh = jax.nn.relu(jnp.einsum('bd,edh->beh', x, W_e1) + b_e1[None])
    eo = jnp.einsum('beh,eho->beo', eh, W_e2) + b_e2[None]
    y = jnp.einsum('be,beo->bo', combine, eo)
    # load-balancing aux loss
    indicator = jnp.sum(onehot, axis=1)  # [B, E]
    f = jnp.mean(indicator, axis=0) / TOP_K
    p = jnp.mean(probs, axis=0)
    aux_loss = NUM_EXPERTS * jnp.sum(f * p)
    # policy2 (ReLU then Linear)
    mu = jnp.tanh(jax.nn.relu(y) @ W_p2 + b_p2)
    std_t = jnp.ones_like(mu) * std
    return (mu, std_t, aux_loss)

if __name__ == "__main__":
    import jax
    _d = setup_inputs()
    print(jax.jit(kernel)(*tuple(_d.values())))

</pallas_src>

<mosaic_0001>
#map = affine_map<(d0, d1) -> (0, 0)>
#map1 = affine_map<(d0, d1) -> (0)>
module attributes {stable_mosaic.version = 14 : i64} {
  func.func @_sc_router_body(%arg0: i32, %arg1: i32, %arg2: memref<1024x1024xf32, #tpu.memory_space<hbm>>, %arg3: memref<1024xi32, #tpu.memory_space<hbm>>, %arg4: memref<1024xi32, #tpu.memory_space<hbm>>, %arg5: memref<1024xi32, #tpu.memory_space<hbm>>, %arg6: memref<1024xi32, #tpu.memory_space<hbm>>, %arg7: memref<8192x1024xf32, #tpu.memory_space<hbm>>, %arg8: memref<32x1024xf32, #tpu.memory_space<vmem>>, %arg9: memref<4x32xi32, #tpu.memory_space<vmem>>, %arg10: memref<!tpu.dma_semaphore, #tpu.memory_space<semaphore_mem>>) attributes {dimension_semantics = [#tpu.dimension_semantics<core_parallel>, #tpu.dimension_semantics<subcore_parallel>], iteration_bounds = array<i64: 2, 16>, scalar_prefetch = 0 : i64, scratch_operands = 3 : i64, tpu.core_type = #tpu.core_type<sc_vector_subcore>, window_params = [{transform_indices = #map}, {transform_indices = #map1}, {transform_indices = #map1}, {transform_indices = #map1}, {transform_indices = #map1}, {transform_indices = #map}]} {
    %mul3A = arith.constant 2 : i32
    %mul3A_0 = arith.muli %arg1, %mul3A : i32
    %add3A = arith.addi %mul3A_0, %arg0 : i32
    %mul3A_1 = arith.constant 32 : i32
    %mul3A_2 = arith.muli %add3A, %mul3A_1 : i32
    %dma_start3A = arith.constant 0 : i32
    %dma_start3A_3 = tpu.memref_slice %arg2[%mul3A_2, %dma_start3A] : memref<1024x1024xf32, #tpu.memory_space<hbm>> -> memref<32x1024xf32, #tpu.memory_space<hbm>>
    %dma_start3A_4 = arith.constant 0 : i32
    %dma_start3A_5 = tpu.memref_slice %arg2[%mul3A_2, %dma_start3A_4] : memref<1024x1024xf32, #tpu.memory_space<hbm>> -> memref<32x1024xf32, #tpu.memory_space<hbm>>
    tpu.enqueue_dma source(%dma_start3A_5 : memref<32x1024xf32, #tpu.memory_space<hbm>>) target(%arg8 : memref<32x1024xf32, #tpu.memory_space<vmem>>) target_semaphore(%arg10 : memref<!tpu.dma_semaphore, #tpu.memory_space<semaphore_mem>>)
    %dma_start3A_6 = arith.constant 0 : i32
    %dma_start3A_7 = arith.constant 0 : i32
    %dma_start3A_8 = tpu.memref_slice %arg9[%dma_start3A_6, %dma_start3A_7] : memref<4x32xi32, #tpu.memory_space<vmem>> -> memref<1x32xi32, #tpu.memory_space<vmem>>
    %dma_start3A_9 = tpu.memref_squeeze %dma_start3A_8 : memref<1x32xi32, #tpu.memory_space<vmem>> -> memref<32xi32, #tpu.memory_space<vmem>>
    %dma_start3A_10 = tpu.memref_slice %arg3[%mul3A_2] : memref<1024xi32, #tpu.memory_space<hbm>> -> memref<32xi32, #tpu.memory_space<hbm>>
    %dma_start3A_11 = arith.constant 0 : i32
    %dma_start3A_12 = tpu.memref_slice %arg9[%dma_start3A_6, %dma_start3A_11] : memref<4x32xi32, #tpu.memory_space<vmem>> -> memref<1x32xi32, #tpu.memory_space<vmem>>
    %dma_start3A_13 = tpu.memref_squeeze %dma_start3A_12 : memref<1x32xi32, #tpu.memory_space<vmem>> -> memref<32xi32, #tpu.memory_space<vmem>>
    %dma_start3A_14 = tpu.memref_slice %arg3[%mul3A_2] : memref<1024xi32, #tpu.memory_space<hbm>> -> memref<32xi32, #tpu.memory_space<hbm>>
    tpu.enqueue_dma source(%dma_start3A_14 : memref<32xi32, #tpu.memory_space<hbm>>) target(%dma_start3A_13 : memref<32xi32, #tpu.memory_space<vmem>>) target_semaphore(%arg10 : memref<!tpu.dma_semaphore, #tpu.memory_space<semaphore_mem>>)
    %dma_start3A_15 = arith.constant 1 : i32
    %dma_start3A_16 = arith.constant 0 : i32
    %dma_start3A_17 = tpu.memref_slice %arg9[%dma_start3A_15, %dma_start3A_16] : memref<4x32xi32, #tpu.memory_space<vmem>> -> memref<1x32xi32, #tpu.memory_space<vmem>>
    %dma_start3A_18 = tpu.memref_squeeze %dma_start3A_17 : memref<1x32xi32, #tpu.memory_space<vmem>> -> memref<32xi32, #tpu.memory_space<vmem>>
    %dma_start3A_19 = tpu.memref_slice %arg4[%mul3A_2] : memref<1024xi32, #tpu.memory_space<hbm>> -> memref<32xi32, #tpu.memory_space<hbm>>
    %dma_start3A_20 = arith.constant 0 : i32
    %dma_start3A_21 = tpu.memref_slice %arg9[%dma_start3A_15, %dma_start3A_20] : memref<4x32xi32, #tpu.memory_space<vmem>> -> memref<1x32xi32, #tpu.memory_space<vmem>>
    %dma_start3A_22 = tpu.memref_squeeze %dma_start3A_21 : memref<1x32xi32, #tpu.memory_space<vmem>> -> memref<32xi32, #tpu.memory_space<vmem>>
    %dma_start3A_23 = tpu.memref_slice %arg4[%mul3A_2] : memref<1024xi32, #tpu.memory_space<hbm>> -> memref<32xi32, #tpu.memory_space<hbm>>
    tpu.enqueue_dma source(%dma_start3A_23 : memref<32xi32, #tpu.memory_space<hbm>>) target(%dma_start3A_22 : memref<32xi32, #tpu.memory_space<vmem>>) target_semaphore(%arg10 : memref<!tpu.dma_semaphore, #tpu.memory_space<semaphore_mem>>)
    %dma_start3A_24 = arith.constant 2 : i32
    %dma_start3A_25 = arith.constant 0 : i32
    %dma_start3A_26 = tpu.memref_slice %arg9[%dma_start3A_24, %dma_start3A_25] : memref<4x32xi32, #tpu.memory_space<vmem>> -> memref<1x32xi32, #tpu.memory_space<vmem>>
    %dma_start3A_27 = tpu.memref_squeeze %dma_start3A_26 : memref<1x32xi32, #tpu.memory_space<vmem>> -> memref<32xi32, #tpu.memory_space<vmem>>
    %dma_start3A_28 = tpu.memref_slice %arg5[%mul3A_2] : memref<1024xi32, #tpu.memory_space<hbm>> -> memref<32xi32, #tpu.memory_space<hbm>>
    %dma_start3A_29 = arith.constant 0 : i32
    %dma_start3A_30 = tpu.memref_slice %arg9[%dma_start3A_24, %dma_start3A_29] : memref<4x32xi32, #tpu.memory_space<vmem>> -> memref<1x32xi32, #tpu.memory_space<vmem>>
    %dma_start3A_31 = tpu.memref_squeeze %dma_start3A_30 : memref<1x32xi32, #tpu.memory_space<vmem>> -> memref<32xi32, #tpu.memory_space<vmem>>
    %dma_start3A_32 = tpu.memref_slice %arg5[%mul3A_2] : memref<1024xi32, #tpu.memory_space<hbm>> -> memref<32xi32, #tpu.memory_space<hbm>>
    tpu.enqueue_dma source(%dma_start3A_32 : memref<32xi32, #tpu.memory_space<hbm>>) target(%dma_start3A_31 : memref<32xi32, #tpu.memory_space<vmem>>) target_semaphore(%arg10 : memref<!tpu.dma_semaphore, #tpu.memory_space<semaphore_mem>>)
    %dma_start3A_33 = arith.constant 3 : i32
    %dma_start3A_34 = arith.constant 0 : i32
    %dma_start3A_35 = tpu.memref_slice %arg9[%dma_start3A_33, %dma_start3A_34] : memref<4x32xi32, #tpu.memory_space<vmem>> -> memref<1x32xi32, #tpu.memory_space<vmem>>
    %dma_start3A_36 = tpu.memref_squeeze %dma_start3A_35 : memref<1x32xi32, #tpu.memory_space<vmem>> -> memref<32xi32, #tpu.memory_space<vmem>>
    %dma_start3A_37 = tpu.memref_slice %arg6[%mul3A_2] : memref<1024xi32, #tpu.memory_space<hbm>> -> memref<32xi32, #tpu.memory_space<hbm>>
    %dma_start3A_38 = arith.constant 0 : i32
    %dma_start3A_39 = tpu.memref_slice %arg9[%dma_start3A_33, %dma_start3A_38] : memref<4x32xi32, #tpu.memory_space<vmem>> -> memref<1x32xi32, #tpu.memory_space<vmem>>
    %dma_start3A_40 = tpu.memref_squeeze %dma_start3A_39 : memref<1x32xi32, #tpu.memory_space<vmem>> -> memref<32xi32, #tpu.memory_space<vmem>>
    %dma_start3A_41 = tpu.memref_slice %arg6[%mul3A_2] : memref<1024xi32, #tpu.memory_space<hbm>> -> memref<32xi32, #tpu.memory_space<hbm>>
    tpu.enqueue_dma source(%dma_start3A_41 : memref<32xi32, #tpu.memory_space<hbm>>) target(%dma_start3A_40 : memref<32xi32, #tpu.memory_space<vmem>>) target_semaphore(%arg10 : memref<!tpu.dma_semaphore, #tpu.memory_space<semaphore_mem>>)
    %dma_wait3A = arith.constant 0 : i32
    %dma_wait3A_42 = tpu.memref_slice %arg2[%mul3A_2, %dma_wait3A] : memref<1024x1024xf32, #tpu.memory_space<hbm>> -> memref<32x1024xf32, #tpu.memory_space<hbm>>
    %dma_wait3A_43 = arith.constant 0 : i32
    %dma_wait3A_44 = tpu.memref_slice %arg2[%mul3A_2, %dma_wait3A_43] : memref<1024x1024xf32, #tpu.memory_space<hbm>> -> memref<32x1024xf32, #tpu.memory_space<hbm>>
    tpu.wait_dma2 semaphore(%arg10 : memref<!tpu.dma_semaphore, #tpu.memory_space<semaphore_mem>>) src(%dma_wait3A_44 : memref<32x1024xf32, #tpu.memory_space<hbm>>) dst(%arg8 : memref<32x1024xf32, #tpu.memory_space<vmem>>)
    %dma_wait3A_45 = arith.constant 0 : i32
    %dma_wait3A_46 = arith.constant 0 : i32
    %dma_wait3A_47 = tpu.memref_slice %arg9[%dma_wait3A_45, %dma_wait3A_46] : memref<4x32xi32, #tpu.memory_space<vmem>> -> memref<1x32xi32, #tpu.memory_space<vmem>>
    %dma_wait3A_48 = tpu.memref_squeeze %dma_wait3A_47 : memref<1x32xi32, #tpu.memory_space<vmem>> -> memref<32xi32, #tpu.memory_space<vmem>>
    %dma_wait3A_49 = tpu.memref_slice %arg3[%mul3A_2] : memref<1024xi32, #tpu.memory_space<hbm>> -> memref<32xi32, #tpu.memory_space<hbm>>
    %dma_wait3A_50 = arith.constant 0 : i32
    %dma_wait3A_51 = tpu.memref_slice %arg9[%dma_wait3A_45, %dma_wait3A_50] : memref<4x32xi32, #tpu.memory_space<vmem>> -> memref<1x32xi32, #tpu.memory_space<vmem>>
    %dma_wait3A_52 = tpu.memref_squeeze %dma_wait3A_51 : memref<1x32xi32, #tpu.memory_space<vmem>> -> memref<32xi32, #tpu.memory_space<vmem>>
    %dma_wait3A_53 = tpu.memref_slice %arg3[%mul3A_2] : memref<1024xi32, #tpu.memory_space<hbm>> -> memref<32xi32, #tpu.memory_space<hbm>>
    tpu.wait_dma2 semaphore(%arg10 : memref<!tpu.dma_semaphore, #tpu.memory_space<semaphore_mem>>) src(%dma_wait3A_53 : memref<32xi32, #tpu.memory_space<hbm>>) dst(%dma_wait3A_52 : memref<32xi32, #tpu.memory_space<vmem>>)
    %dma_wait3A_54 = arith.constant 1 : i32
    %dma_wait3A_55 = arith.constant 0 : i32
    %dma_wait3A_56 = tpu.memref_slice %arg9[%dma_wait3A_54, %dma_wait3A_55] : memref<4x32xi32, #tpu.memory_space<vmem>> -> memref<1x32xi32, #tpu.memory_space<vmem>>
    %dma_wait3A_57 = tpu.memref_squeeze %dma_wait3A_56 : memref<1x32xi32, #tpu.memory_space<vmem>> -> memref<32xi32, #tpu.memory_space<vmem>>
    %dma_wait3A_58 = tpu.memref_slice %arg4[%mul3A_2] : memref<1024xi32, #tpu.memory_space<hbm>> -> memref<32xi32, #tpu.memory_space<hbm>>
    %dma_wait3A_59 = arith.constant 0 : i32
    %dma_wait3A_60 = tpu.memref_slice %arg9[%dma_wait3A_54, %dma_wait3A_59] : memref<4x32xi32, #tpu.memory_space<vmem>> -> memref<1x32xi32, #tpu.memory_space<vmem>>
    %dma_wait3A_61 = tpu.memref_squeeze %dma_wait3A_60 : memref<1x32xi32, #tpu.memory_space<vmem>> -> memref<32xi32, #tpu.memory_space<vmem>>
    %dma_wait3A_62 = tpu.memref_slice %arg4[%mul3A_2] : memref<1024xi32, #tpu.memory_space<hbm>> -> memref<32xi32, #tpu.memory_space<hbm>>
    tpu.wait_dma2 semaphore(%arg10 : memref<!tpu.dma_semaphore, #tpu.memory_space<semaphore_mem>>) src(%dma_wait3A_62 : memref<32xi32, #tpu.memory_space<hbm>>) dst(%dma_wait3A_61 : memref<32xi32, #tpu.memory_space<vmem>>)
    %dma_wait3A_63 = arith.constant 2 : i32
    %dma_wait3A_64 = arith.constant 0 : i32
    %dma_wait3A_65 = tpu.memref_slice %arg9[%dma_wait3A_63, %dma_wait3A_64] : memref<4x32xi32, #tpu.memory_space<vmem>> -> memref<1x32xi32, #tpu.memory_space<vmem>>
    %dma_wait3A_66 = tpu.memref_squeeze %dma_wait3A_65 : memref<1x32xi32, #tpu.memory_space<vmem>> -> memref<32xi32, #tpu.memory_space<vmem>>
    %dma_wait3A_67 = tpu.memref_slice %arg5[%mul3A_2] : memref<1024xi32, #tpu.memory_space<hbm>> -> memref<32xi32, #tpu.memory_space<hbm>>
    %dma_wait3A_68 = arith.constant 0 : i32
    %dma_wait3A_69 = tpu.memref_slice %arg9[%dma_wait3A_63, %dma_wait3A_68] : memref<4x32xi32, #tpu.memory_space<vmem>> -> memref<1x32xi32, #tpu.memory_space<vmem>>
    %dma_wait3A_70 = tpu.memref_squeeze %dma_wait3A_69 : memref<1x32xi32, #tpu.memory_space<vmem>> -> memref<32xi32, #tpu.memory_space<vmem>>
    %dma_wait3A_71 = tpu.memref_slice %arg5[%mul3A_2] : memref<1024xi32, #tpu.memory_space<hbm>> -> memref<32xi32, #tpu.memory_space<hbm>>
    tpu.wait_dma2 semaphore(%arg10 : memref<!tpu.dma_semaphore, #tpu.memory_space<semaphore_mem>>) src(%dma_wait3A_71 : memref<32xi32, #tpu.memory_space<hbm>>) dst(%dma_wait3A_70 : memref<32xi32, #tpu.memory_space<vmem>>)
    %dma_wait3A_72 = arith.constant 3 : i32
    %dma_wait3A_73 = arith.constant 0 : i32
    %dma_wait3A_74 = tpu.memref_slice %arg9[%dma_wait3A_72, %dma_wait3A_73] : memref<4x32xi32, #tpu.memory_space<vmem>> -> memref<1x32xi32, #tpu.memory_space<vmem>>
    %dma_wait3A_75 = tpu.memref_squeeze %dma_wait3A_74 : memref<1x32xi32, #tpu.memory_space<vmem>> -> memref<32xi32, #tpu.memory_space<vmem>>
    %dma_wait3A_76 = tpu.memref_slice %arg6[%mul3A_2] : memref<1024xi32, #tpu.memory_space<hbm>> -> memref<32xi32, #tpu.memory_space<hbm>>
    %dma_wait3A_77 = arith.constant 0 : i32
    %dma_wait3A_78 = tpu.memref_slice %arg9[%dma_wait3A_72, %dma_wait3A_77] : memref<4x32xi32, #tpu.memory_space<vmem>> -> memref<1x32xi32, #tpu.memory_space<vmem>>
    %dma_wait3A_79 = tpu.memref_squeeze %dma_wait3A_78 : memref<1x32xi32, #tpu.memory_space<vmem>> -> memref<32xi32, #tpu.memory_space<vmem>>
    %dma_wait3A_80 = tpu.memref_slice %arg6[%mul3A_2] : memref<1024xi32, #tpu.memory_space<hbm>> -> memref<32xi32, #tpu.memory_space<hbm>>
    tpu.wait_dma2 semaphore(%arg10 : memref<!tpu.dma_semaphore, #tpu.memory_space<semaphore_mem>>) src(%dma_wait3A_80 : memref<32xi32, #tpu.memory_space<hbm>>) dst(%dma_wait3A_79 : memref<32xi32, #tpu.memory_space<vmem>>)
    %dma_start3A_81 = arith.constant 0 : i32
    %dma_start3A_82 = arith.constant 0 : i32
    %dma_start3A_83 = tpu.memref_slice %arg9[%dma_start3A_81, %dma_start3A_82] : memref<4x32xi32, #tpu.memory_space<vmem>> -> memref<1x32xi32, #tpu.memory_space<vmem>>
    %dma_start3A_84 = tpu.memref_squeeze %dma_start3A_83 : memref<1x32xi32, #tpu.memory_space<vmem>> -> memref<32xi32, #tpu.memory_space<vmem>>
    %dma_start3A_85 = arith.constant 0 : i32
    %dma_start3A_86 = arith.constant 0 : i32
    %dma_start3A_87 = tpu.memref_slice %arg7[%dma_start3A_85, %dma_start3A_86] : memref<8192x1024xf32, #tpu.memory_space<hbm>> -> memref<8192x1024xf32, #tpu.memory_space<hbm>>
    tpu.enqueue_indirect_dma source(%arg8 : memref<32x1024xf32, #tpu.memory_space<vmem>>) target(%dma_start3A_87 : memref<8192x1024xf32, #tpu.memory_space<hbm>>) offsets(%dma_start3A_84 : memref<32xi32, #tpu.memory_space<vmem>>) semaphore(%arg10 : memref<!tpu.dma_semaphore, #tpu.memory_space<semaphore_mem>>)
    %dma_start3A_88 = arith.constant 1 : i32
    %dma_start3A_89 = arith.constant 0 : i32
    %dma_start3A_90 = tpu.memref_slice %arg9[%dma_start3A_88, %dma_start3A_89] : memref<4x32xi32, #tpu.memory_space<vmem>> -> memref<1x32xi32, #tpu.memory_space<vmem>>
    %dma_start3A_91 = tpu.memref_squeeze %dma_start3A_90 : memref<1x32xi32, #tpu.memory_space<vmem>> -> memref<32xi32, #tpu.memory_space<vmem>>
    %dma_start3A_92 = arith.constant 0 : i32
    %dma_start3A_93 = arith.constant 0 : i32
    %dma_start3A_94 = tpu.memref_slice %arg7[%dma_start3A_92, %dma_start3A_93] : memref<8192x1024xf32, #tpu.memory_space<hbm>> -> memref<8192x1024xf32, #tpu.memory_space<hbm>>
    tpu.enqueue_indirect_dma source(%arg8 : memref<32x1024xf32, #tpu.memory_space<vmem>>) target(%dma_start3A_94 : memref<8192x1024xf32, #tpu.memory_space<hbm>>) offsets(%dma_start3A_91 : memref<32xi32, #tpu.memory_space<vmem>>) semaphore(%arg10 : memref<!tpu.dma_semaphore, #tpu.memory_space<semaphore_mem>>)
    %dma_start3A_95 = arith.constant 2 : i32
    %dma_start3A_96 = arith.constant 0 : i32
    %dma_start3A_97 = tpu.memref_slice %arg9[%dma_start3A_95, %dma_start3A_96] : memref<4x32xi32, #tpu.memory_space<vmem>> -> memref<1x32xi32, #tpu.memory_space<vmem>>
    %dma_start3A_98 = tpu.memref_squeeze %dma_start3A_97 : memref<1x32xi32, #tpu.memory_space<vmem>> -> memref<32xi32, #tpu.memory_space<vmem>>
    %dma_start3A_99 = arith.constant 0 : i32
    %dma_start3A_100 = arith.constant 0 : i32
    %dma_start3A_101 = tpu.memref_slice %arg7[%dma_start3A_99, %dma_start3A_100] : memref<8192x1024xf32, #tpu.memory_space<hbm>> -> memref<8192x1024xf32, #tpu.memory_space<hbm>>
    tpu.enqueue_indirect_dma source(%arg8 : memref<32x1024xf32, #tpu.memory_space<vmem>>) target(%dma_start3A_101 : memref<8192x1024xf32, #tpu.memory_space<hbm>>) offsets(%dma_start3A_98 : memref<32xi32, #tpu.memory_space<vmem>>) semaphore(%arg10 : memref<!tpu.dma_semaphore, #tpu.memory_space<semaphore_mem>>)
    %dma_start3A_102 = arith.constant 3 : i32
    %dma_start3A_103 = arith.constant 0 : i32
    %dma_start3A_104 = tpu.memref_slice %arg9[%dma_start3A_102, %dma_start3A_103] : memref<4x32xi32, #tpu.memory_space<vmem>> -> memref<1x32xi32, #tpu.memory_space<vmem>>
    %dma_start3A_105 = tpu.memref_squeeze %dma_start3A_104 : memref<1x32xi32, #tpu.memory_space<vmem>> -> memref<32xi32, #tpu.memory_space<vmem>>
    %dma_start3A_106 = arith.constant 0 : i32
    %dma_start3A_107 = arith.constant 0 : i32
    %dma_start3A_108 = tpu.memref_slice %arg7[%dma_start3A_106, %dma_start3A_107] : memref<8192x1024xf32, #tpu.memory_space<hbm>> -> memref<8192x1024xf32, #tpu.memory_space<hbm>>
    tpu.enqueue_indirect_dma source(%arg8 : memref<32x1024xf32, #tpu.memory_space<vmem>>) target(%dma_start3A_108 : memref<8192x1024xf32, #tpu.memory_space<hbm>>) offsets(%dma_start3A_105 : memref<32xi32, #tpu.memory_space<vmem>>) semaphore(%arg10 : memref<!tpu.dma_semaphore, #tpu.memory_space<semaphore_mem>>)
    %dma_wait3A_109 = arith.constant 0 : i32
    %dma_wait3A_110 = arith.constant 0 : i32
    %dma_wait3A_111 = tpu.memref_slice %arg9[%dma_wait3A_109, %dma_wait3A_110] : memref<4x32xi32, #tpu.memory_space<vmem>> -> memref<1x32xi32, #tpu.memory_space<vmem>>
    %dma_wait3A_112 = tpu.memref_squeeze %dma_wait3A_111 : memref<1x32xi32, #tpu.memory_space<vmem>> -> memref<32xi32, #tpu.memory_space<vmem>>
    %dma_wait3A_113 = arith.constant 0 : i32
    %dma_wait3A_114 = arith.constant 0 : i32
    %dma_wait3A_115 = tpu.memref_slice %arg7[%dma_wait3A_113, %dma_wait3A_114] : memref<8192x1024xf32, #tpu.memory_space<hbm>> -> memref<8192x1024xf32, #tpu.memory_space<hbm>>
    tpu.wait_indirect_dma semaphore(%arg10 : memref<!tpu.dma_semaphore, #tpu.memory_space<semaphore_mem>>) src(%arg8 : memref<32x1024xf32, #tpu.memory_space<vmem>>) dst(%dma_wait3A_115 : memref<8192x1024xf32, #tpu.memory_space<hbm>>)
    %dma_wait3A_116 = arith.constant 1 : i32
    %dma_wait3A_117 = arith.constant 0 : i32
    %dma_wait3A_118 = tpu.memref_slice %arg9[%dma_wait3A_116, %dma_wait3A_117] : memref<4x32xi32, #tpu.memory_space<vmem>> -> memref<1x32xi32, #tpu.memory_space<vmem>>
    %dma_wait3A_119 = tpu.memref_squeeze %dma_wait3A_118 : memref<1x32xi32, #tpu.memory_space<vmem>> -> memref<32xi32, #tpu.memory_space<vmem>>
    %dma_wait3A_120 = arith.constant 0 : i32
    %dma_wait3A_121 = arith.constant 0 : i32
    %dma_wait3A_122 = tpu.memref_slice %arg7[%dma_wait3A_120, %dma_wait3A_121] : memref<8192x1024xf32, #tpu.memory_space<hbm>> -> memref<8192x1024xf32, #tpu.memory_space<hbm>>
    tpu.wait_indirect_dma semaphore(%arg10 : memref<!tpu.dma_semaphore, #tpu.memory_space<semaphore_mem>>) src(%arg8 : memref<32x1024xf32, #tpu.memory_space<vmem>>) dst(%dma_wait3A_122 : memref<8192x1024xf32, #tpu.memory_space<hbm>>)
    %dma_wait3A_123 = arith.constant 2 : i32
    %dma_wait3A_124 = arith.constant 0 : i32
    %dma_wait3A_125 = tpu.memref_slice %arg9[%dma_wait3A_123, %dma_wait3A_124] : memref<4x32xi32, #tpu.memory_space<vmem>> -> memref<1x32xi32, #tpu.memory_space<vmem>>
    %dma_wait3A_126 = tpu.memref_squeeze %dma_wait3A_125 : memref<1x32xi32, #tpu.memory_space<vmem>> -> memref<32xi32, #tpu.memory_space<vmem>>
    %dma_wait3A_127 = arith.constant 0 : i32
    %dma_wait3A_128 = arith.constant 0 : i32
    %dma_wait3A_129 = tpu.memref_slice %arg7[%dma_wait3A_127, %dma_wait3A_128] : memref<8192x1024xf32, #tpu.memory_space<hbm>> -> memref<8192x1024xf32, #tpu.memory_space<hbm>>
    tpu.wait_indirect_dma semaphore(%arg10 : memref<!tpu.dma_semaphore, #tpu.memory_space<semaphore_mem>>) src(%arg8 : memref<32x1024xf32, #tpu.memory_space<vmem>>) dst(%dma_wait3A_129 : memref<8192x1024xf32, #tpu.memory_space<hbm>>)
    %dma_wait3A_130 = arith.constant 3 : i32
    %dma_wait3A_131 = arith.constant 0 : i32
    %dma_wait3A_132 = tpu.memref_slice %arg9[%dma_wait3A_130, %dma_wait3A_131] : memref<4x32xi32, #tpu.memory_space<vmem>> -> memref<1x32xi32, #tpu.memory_space<vmem>>
    %dma_wait3A_133 = tpu.memref_squeeze %dma_wait3A_132 : memref<1x32xi32, #tpu.memory_space<vmem>> -> memref<32xi32, #tpu.memory_space<vmem>>
    %dma_wait3A_134 = arith.constant 0 : i32
    %dma_wait3A_135 = arith.constant 0 : i32
    %dma_wait3A_136 = tpu.memref_slice %arg7[%dma_wait3A_134, %dma_wait3A_135] : memref<8192x1024xf32, #tpu.memory_space<hbm>> -> memref<8192x1024xf32, #tpu.memory_space<hbm>>
    tpu.wait_indirect_dma semaphore(%arg10 : memref<!tpu.dma_semaphore, #tpu.memory_space<semaphore_mem>>) src(%arg8 : memref<32x1024xf32, #tpu.memory_space<vmem>>) dst(%dma_wait3A_136 : memref<8192x1024xf32, #tpu.memory_space<hbm>>)
    return
  }
}

#map = affine_map<(d0, d1) -> (0, 0)>
module attributes {stable_mosaic.version = 14 : i64} {
  func.func @_sc_gather_body(%arg0: i32, %arg1: i32, %arg2: memref<128x32xi32, #tpu.memory_space<hbm>>, %arg3: memref<8192x1024xf32, #tpu.memory_space<hbm>>, %arg4: memref<4096x1024xf32, #tpu.memory_space<hbm>>, %arg5: memref<4x32xi32, #tpu.memory_space<vmem>>, %arg6: memref<32x1024xf32, #tpu.memory_space<vmem>>, %arg7: memref<32x1024xf32, #tpu.memory_space<vmem>>, %arg8: memref<!tpu.dma_semaphore, #tpu.memory_space<semaphore_mem>>, %arg9: memref<!tpu.dma_semaphore, #tpu.memory_space<semaphore_mem>>) attributes {dimension_semantics = [#tpu.dimension_semantics<core_parallel>, #tpu.dimension_semantics<subcore_parallel>], iteration_bounds = array<i64: 2, 16>, scalar_prefetch = 0 : i64, scratch_operands = 5 : i64, tpu.core_type = #tpu.core_type<sc_vector_subcore>, window_params = [{transform_indices = #map}, {transform_indices = #map}, {transform_indices = #map}]} {
    %mul3A = arith.constant 2 : i32
    %mul3A_0 = arith.muli %arg1, %mul3A : i32
    %add3A = arith.addi %mul3A_0, %arg0 : i32
    %mul3A_1 = arith.constant 4 : i32
    %mul3A_2 = arith.muli %add3A, %mul3A_1 : i32
    "tpu.region"() ({
      %run_scoped3A = tpu.sem_alloc : memref<!tpu.dma_semaphore, #tpu.memory_space<semaphore_mem>>
      %dma_start3A_113 = arith.constant 0 : i32
      %dma_start3A_114 = tpu.memref_slice %arg2[%mul3A_2, %dma_start3A_113] : memref<128x32xi32, #tpu.memory_space<hbm>> -> memref<4x32xi32, #tpu.memory_space<hbm>>
      %dma_start3A_115 = arith.constant 0 : i32
      %dma_start3A_116 = tpu.memref_slice %arg2[%mul3A_2, %dma_start3A_115] : memref<128x32xi32, #tpu.memory_space<hbm>> -> memref<4x32xi32, #tpu.memory_space<hbm>>
      tpu.enqueue_dma source(%dma_start3A_116 : memref<4x32xi32, #tpu.memory_space<hbm>>) target(%arg5 : memref<4x32xi32, #tpu.memory_space<vmem>>) target_semaphore(%run_scoped3A : memref<!tpu.dma_semaphore, #tpu.memory_space<semaphore_mem>>)
      %dma_wait3A_117 = arith.constant 0 : i32
      %dma_wait3A_118 = tpu.memref_slice %arg2[%mul3A_2, %dma_wait3A_117] : memref<128x32xi32, #tpu.memory_space<hbm>> -> memref<4x32xi32, #tpu.memory_space<hbm>>
      %dma_wait3A_119 = arith.constant 0 : i32
      %dma_wait3A_120 = tpu.memref_slice %arg2[%mul3A_2, %dma_wait3A_119] : memref<128x32xi32, #tpu.memory_space<hbm>> -> memref<4x32xi32, #tpu.memory_space<hbm>>
      tpu.wait_dma2 semaphore(%run_scoped3A : memref<!tpu.dma_semaphore, #tpu.memory_space<semaphore_mem>>) src(%dma_wait3A_120 : memref<4x32xi32, #tpu.memory_space<hbm>>) dst(%arg5 : memref<4x32xi32, #tpu.memory_space<vmem>>)
      tpu.yield
    }) : () -> ()
    %dma_start3A = arith.constant 0 : i32
    %dma_start3A_3 = arith.constant 0 : i32
    %dma_start3A_4 = tpu.memref_slice %arg5[%dma_start3A, %dma_start3A_3] : memref<4x32xi32, #tpu.memory_space<vmem>> -> memref<1x32xi32, #tpu.memory_space<vmem>>
    %dma_start3A_5 = tpu.memref_squeeze %dma_start3A_4 : memref<1x32xi32, #tpu.memory_space<vmem>> -> memref<32xi32, #tpu.memory_space<vmem>>
    %dma_start3A_6 = arith.constant 0 : i32
    %dma_start3A_7 = arith.constant 0 : i32
    %dma_start3A_8 = tpu.memref_slice %arg3[%dma_start3A_6, %dma_start3A_7] : memref<8192x1024xf32, #tpu.memory_space<hbm>> -> memref<8192x1024xf32, #tpu.memory_space<hbm>>
    tpu.enqueue_indirect_dma source(%dma_start3A_8 : memref<8192x1024xf32, #tpu.memory_space<hbm>>) target(%arg6 : memref<32x1024xf32, #tpu.memory_space<vmem>>) offsets(%dma_start3A_5 : memref<32xi32, #tpu.memory_space<vmem>>) semaphore(%arg8 : memref<!tpu.dma_semaphore, #tpu.memory_space<semaphore_mem>>)
    %dma_wait3A = arith.constant 0 : i32
    %dma_wait3A_9 = arith.constant 0 : i32
    %dma_wait3A_10 = tpu.memref_slice %arg5[%dma_wait3A, %dma_wait3A_9] : memref<4x32xi32, #tpu.memory_space<vmem>> -> memref<1x32xi32, #tpu.memory_space<vmem>>
    %dma_wait3A_11 = tpu.memref_squeeze %dma_wait3A_10 : memref<1x32xi32, #tpu.memory_space<vmem>> -> memref<32xi32, #tpu.memory_space<vmem>>
    %dma_wait3A_12 = arith.constant 0 : i32
    %dma_wait3A_13 = arith.constant 0 : i32
    %dma_wait3A_14 = tpu.memref_slice %arg3[%dma_wait3A_12, %dma_wait3A_13] : memref<8192x1024xf32, #tpu.memory_space<hbm>> -> memref<8192x1024xf32, #tpu.memory_space<hbm>>
    tpu.wait_indirect_dma semaphore(%arg8 : memref<!tpu.dma_semaphore, #tpu.memory_space<semaphore_mem>>) src(%dma_wait3A_14 : memref<8192x1024xf32, #tpu.memory_space<hbm>>) dst(%arg6 : memref<32x1024xf32, #tpu.memory_space<vmem>>)
    %mul3A_15 = arith.constant 32 : i32
    %mul3A_16 = arith.muli %add3A, %mul3A_15 : i32
    %mul3A_17 = arith.constant 4 : i32
    %mul3A_18 = arith.muli %mul3A_16, %mul3A_17 : i32
    %add3A_19 = arith.constant 0 : i32
    %add3A_20 = arith.addi %mul3A_18, %add3A_19 : i32
    %dma_start3A_21 = arith.constant 0 : i32
    %dma_start3A_22 = tpu.memref_slice %arg4[%add3A_20, %dma_start3A_21] : memref<4096x1024xf32, #tpu.memory_space<hbm>> -> memref<32x1024xf32, #tpu.memory_space<hbm>>
    %dma_start3A_23 = arith.constant 0 : i32
    %dma_start3A_24 = tpu.memref_slice %arg4[%add3A_20, %dma_start3A_23] : memref<4096x1024xf32, #tpu.memory_space<hbm>> -> memref<32x1024xf32, #tpu.memory_space<hbm>>
    tpu.enqueue_dma source(%arg6 : memref<32x1024xf32, #tpu.memory_space<vmem>>) target(%dma_start3A_24 : memref<32x1024xf32, #tpu.memory_space<hbm>>) target_semaphore(%arg9 : memref<!tpu.dma_semaphore, #tpu.memory_space<semaphore_mem>>)
    %dma_start3A_25 = arith.constant 1 : i32
    %dma_start3A_26 = arith.constant 0 : i32
    %dma_start3A_27 = tpu.memref_slice %arg5[%dma_start3A_25, %dma_start3A_26] : memref<4x32xi32, #tpu.memory_space<vmem>> -> memref<1x32xi32, #tpu.memory_space<vmem>>
    %dma_start3A_28 = tpu.memref_squeeze %dma_start3A_27 : memref<1x32xi32, #tpu.memory_space<vmem>> -> memref<32xi32, #tpu.memory_space<vmem>>
    %dma_start3A_29 = arith.constant 0 : i32
    %dma_start3A_30 = arith.constant 0 : i32
    %dma_start3A_31 = tpu.memref_slice %arg3[%dma_start3A_29, %dma_start3A_30] : memref<8192x1024xf32, #tpu.memory_space<hbm>> -> memref<8192x1024xf32, #tpu.memory_space<hbm>>
    tpu.enqueue_indirect_dma source(%dma_start3A_31 : memref<8192x1024xf32, #tpu.memory_space<hbm>>) target(%arg7 : memref<32x1024xf32, #tpu.memory_space<vmem>>) offsets(%dma_start3A_28 : memref<32xi32, #tpu.memory_space<vmem>>) semaphore(%arg8 : memref<!tpu.dma_semaphore, #tpu.memory_space<semaphore_mem>>)
    %dma_wait3A_32 = arith.constant 1 : i32
    %dma_wait3A_33 = arith.constant 0 : i32
    %dma_wait3A_34 = tpu.memref_slice %arg5[%dma_wait3A_32, %dma_wait3A_33] : memref<4x32xi32, #tpu.memory_space<vmem>> -> memref<1x32xi32, #tpu.memory_space<vmem>>
    %dma_wait3A_35 = tpu.memref_squeeze %dma_wait3A_34 : memref<1x32xi32, #tpu.memory_space<vmem>> -> memref<32xi32, #tpu.memory_space<vmem>>
    %dma_wait3A_36 = arith.constant 0 : i32
    %dma_wait3A_37 = arith.constant 0 : i32
    %dma_wait3A_38 = tpu.memref_slice %arg3[%dma_wait3A_36, %dma_wait3A_37] : memref<8192x1024xf32, #tpu.memory_space<hbm>> -> memref<8192x1024xf32, #tpu.memory_space<hbm>>
    tpu.wait_indirect_dma semaphore(%arg8 : memref<!tpu.dma_semaphore, #tpu.memory_space<semaphore_mem>>) src(%dma_wait3A_38 : memref<8192x1024xf32, #tpu.memory_space<hbm>>) dst(%arg7 : memref<32x1024xf32, #tpu.memory_space<vmem>>)
    %mul3A_39 = arith.constant 32 : i32
    %mul3A_40 = arith.muli %add3A, %mul3A_39 : i32
    %mul3A_41 = arith.constant 4 : i32
    %mul3A_42 = arith.muli %mul3A_40, %mul3A_41 : i32
    %add3A_43 = arith.constant 32 : i32
    %add3A_44 = arith.addi %mul3A_42, %add3A_43 : i32
    %dma_start3A_45 = arith.constant 0 : i32
    %dma_start3A_46 = tpu.memref_slice %arg4[%add3A_44, %dma_start3A_45] : memref<4096x1024xf32, #tpu.memory_space<hbm>> -> memref<32x1024xf32, #tpu.memory_space<hbm>>
    %dma_start3A_47 = arith.constant 0 : i32
    %dma_start3A_48 = tpu.memref_slice %arg4[%add3A_44, %dma_start3A_47] : memref<4096x1024xf32, #tpu.memory_space<hbm>> -> memref<32x1024xf32, #tpu.memory_space<hbm>>
    tpu.enqueue_dma source(%arg7 : memref<32x1024xf32, #tpu.memory_space<vmem>>) target(%dma_start3A_48 : memref<32x1024xf32, #tpu.memory_space<hbm>>) target_semaphore(%arg9 : memref<!tpu.dma_semaphore, #tpu.memory_space<semaphore_mem>>)
    %dma_wait3A_49 = arith.constant 0 : i32
    %dma_wait3A_50 = tpu.memref_slice %arg4[%add3A_20, %dma_wait3A_49] : memref<4096x1024xf32, #tpu.memory_space<hbm>> -> memref<32x1024xf32, #tpu.memory_space<hbm>>
    %dma_wait3A_51 = arith.constant 0 : i32
    %dma_wait3A_52 = tpu.memref_slice %arg4[%add3A_20, %dma_wait3A_51] : memref<4096x1024xf32, #tpu.memory_space<hbm>> -> memref<32x1024xf32, #tpu.memory_space<hbm>>
    tpu.wait_dma2 semaphore(%arg9 : memref<!tpu.dma_semaphore, #tpu.memory_space<semaphore_mem>>) src(%arg6 : memref<32x1024xf32, #tpu.memory_space<vmem>>) dst(%dma_wait3A_52 : memref<32x1024xf32, #tpu.memory_space<hbm>>)
    %dma_start3A_53 = arith.constant 2 : i32
    %dma_start3A_54 = arith.constant 0 : i32
    %dma_start3A_55 = tpu.memref_slice %arg5[%dma_start3A_53, %dma_start3A_54] : memref<4x32xi32, #tpu.memory_space<vmem>> -> memref<1x32xi32, #tpu.memory_space<vmem>>
    %dma_start3A_56 = tpu.memref_squeeze %dma_start3A_55 : memref<1x32xi32, #tpu.memory_space<vmem>> -> memref<32xi32, #tpu.memory_space<vmem>>
    %dma_start3A_57 = arith.constant 0 : i32
    %dma_start3A_58 = arith.constant 0 : i32
    %dma_start3A_59 = tpu.memref_slice %arg3[%dma_start3A_57, %dma_start3A_58] : memref<8192x1024xf32, #tpu.memory_space<hbm>> -> memref<8192x1024xf32, #tpu.memory_space<hbm>>
    tpu.enqueue_indirect_dma source(%dma_start3A_59 : memref<8192x1024xf32, #tpu.memory_space<hbm>>) target(%arg6 : memref<32x1024xf32, #tpu.memory_space<vmem>>) offsets(%dma_start3A_56 : memref<32xi32, #tpu.memory_space<vmem>>) semaphore(%arg8 : memref<!tpu.dma_semaphore, #tpu.memory_space<semaphore_mem>>)
    %dma_wait3A_60 = arith.constant 2 : i32
    %dma_wait3A_61 = arith.constant 0 : i32
    %dma_wait3A_62 = tpu.memref_slice %arg5[%dma_wait3A_60, %dma_wait3A_61] : memref<4x32xi32, #tpu.memory_space<vmem>> -> memref<1x32xi32, #tpu.memory_space<vmem>>
    %dma_wait3A_63 = tpu.memref_squeeze %dma_wait3A_62 : memref<1x32xi32, #tpu.memory_space<vmem>> -> memref<32xi32, #tpu.memory_space<vmem>>
    %dma_wait3A_64 = arith.constant 0 : i32
    %dma_wait3A_65 = arith.constant 0 : i32
    %dma_wait3A_66 = tpu.memref_slice %arg3[%dma_wait3A_64, %dma_wait3A_65] : memref<8192x1024xf32, #tpu.memory_space<hbm>> -> memref<8192x1024xf32, #tpu.memory_space<hbm>>
    tpu.wait_indirect_dma semaphore(%arg8 : memref<!tpu.dma_semaphore, #tpu.memory_space<semaphore_mem>>) src(%dma_wait3A_66 : memref<8192x1024xf32, #tpu.memory_space<hbm>>) dst(%arg6 : memref<32x1024xf32, #tpu.memory_space<vmem>>)
    %mul3A_67 = arith.constant 32 : i32
    %mul3A_68 = arith.muli %add3A, %mul3A_67 : i32
    %mul3A_69 = arith.constant 4 : i32
    %mul3A_70 = arith.muli %mul3A_68, %mul3A_69 : i32
    %add3A_71 = arith.constant 64 : i32
    %add3A_72 = arith.addi %mul3A_70, %add3A_71 : i32
    %dma_start3A_73 = arith.constant 0 : i32
    %dma_start3A_74 = tpu.memref_slice %arg4[%add3A_72, %dma_start3A_73] : memref<4096x1024xf32, #tpu.memory_space<hbm>> -> memref<32x1024xf32, #tpu.memory_space<hbm>>
    %dma_start3A_75 = arith.constant 0 : i32
    %dma_start3A_76 = tpu.memref_slice %arg4[%add3A_72, %dma_start3A_75] : memref<4096x1024xf32, #tpu.memory_space<hbm>> -> memref<32x1024xf32, #tpu.memory_space<hbm>>
    tpu.enqueue_dma source(%arg6 : memref<32x1024xf32, #tpu.memory_space<vmem>>) target(%dma_start3A_76 : memref<32x1024xf32, #tpu.memory_space<hbm>>) target_semaphore(%arg9 : memref<!tpu.dma_semaphore, #tpu.memory_space<semaphore_mem>>)
    %dma_wait3A_77 = arith.constant 0 : i32
    %dma_wait3A_78 = tpu.memref_slice %arg4[%add3A_44, %dma_wait3A_77] : memref<4096x1024xf32, #tpu.memory_space<hbm>> -> memref<32x1024xf32, #tpu.memory_space<hbm>>
    %dma_wait3A_79 = arith.constant 0 : i32
    %dma_wait3A_80 = tpu.memref_slice %arg4[%add3A_44, %dma_wait3A_79] : memref<4096x1024xf32, #tpu.memory_space<hbm>> -> memref<32x1024xf32, #tpu.memory_space<hbm>>
    tpu.wait_dma2 semaphore(%arg9 : memref<!tpu.dma_semaphore, #tpu.memory_space<semaphore_mem>>) src(%arg7 : memref<32x1024xf32, #tpu.memory_space<vmem>>) dst(%dma_wait3A_80 : memref<32x1024xf32, #tpu.memory_space<hbm>>)
    %dma_start3A_81 = arith.constant 3 : i32
    %dma_start3A_82 = arith.constant 0 : i32
    %dma_start3A_83 = tpu.memref_slice %arg5[%dma_start3A_81, %dma_start3A_82] : memref<4x32xi32, #tpu.memory_space<vmem>> -> memref<1x32xi32, #tpu.memory_space<vmem>>
    %dma_start3A_84 = tpu.memref_squeeze %dma_start3A_83 : memref<1x32xi32, #tpu.memory_space<vmem>> -> memref<32xi32, #tpu.memory_space<vmem>>
    %dma_start3A_85 = arith.constant 0 : i32
    %dma_start3A_86 = arith.constant 0 : i32
    %dma_start3A_87 = tpu.memref_slice %arg3[%dma_start3A_85, %dma_start3A_86] : memref<8192x1024xf32, #tpu.memory_space<hbm>> -> memref<8192x1024xf32, #tpu.memory_space<hbm>>
    tpu.enqueue_indirect_dma source(%dma_start3A_87 : memref<8192x1024xf32, #tpu.memory_space<hbm>>) target(%arg7 : memref<32x1024xf32, #tpu.memory_space<vmem>>) offsets(%dma_start3A_84 : memref<32xi32, #tpu.memory_space<vmem>>) semaphore(%arg8 : memref<!tpu.dma_semaphore, #tpu.memory_space<semaphore_mem>>)
    %dma_wait3A_88 = arith.constant 3 : i32
    %dma_wait3A_89 = arith.constant 0 : i32
    %dma_wait3A_90 = tpu.memref_slice %arg5[%dma_wait3A_88, %dma_wait3A_89] : memref<4x32xi32, #tpu.memory_space<vmem>> -> memref<1x32xi32, #tpu.memory_space<vmem>>
    %dma_wait3A_91 = tpu.memref_squeeze %dma_wait3A_90 : memref<1x32xi32, #tpu.memory_space<vmem>> -> memref<32xi32, #tpu.memory_space<vmem>>
    %dma_wait3A_92 = arith.constant 0 : i32
    %dma_wait3A_93 = arith.constant 0 : i32
    %dma_wait3A_94 = tpu.memref_slice %arg3[%dma_wait3A_92, %dma_wait3A_93] : memref<8192x1024xf32, #tpu.memory_space<hbm>> -> memref<8192x1024xf32, #tpu.memory_space<hbm>>
    tpu.wait_indirect_dma semaphore(%arg8 : memref<!tpu.dma_semaphore, #tpu.memory_space<semaphore_mem>>) src(%dma_wait3A_94 : memref<8192x1024xf32, #tpu.memory_space<hbm>>) dst(%arg7 : memref<32x1024xf32, #tpu.memory_space<vmem>>)
    %mul3A_95 = arith.constant 32 : i32
    %mul3A_96 = arith.muli %add3A, %mul3A_95 : i32
    %mul3A_97 = arith.constant 4 : i32
    %mul3A_98 = arith.muli %mul3A_96, %mul3A_97 : i32
    %add3A_99 = arith.constant 96 : i32
    %add3A_100 = arith.addi %mul3A_98, %add3A_99 : i32
    %dma_start3A_101 = arith.constant 0 : i32
    %dma_start3A_102 = tpu.memref_slice %arg4[%add3A_100, %dma_start3A_101] : memref<4096x1024xf32, #tpu.memory_space<hbm>> -> memref<32x1024xf32, #tpu.memory_space<hbm>>
    %dma_start3A_103 = arith.constant 0 : i32
    %dma_start3A_104 = tpu.memref_slice %arg4[%add3A_100, %dma_start3A_103] : memref<4096x1024xf32, #tpu.memory_space<hbm>> -> memref<32x1024xf32, #tpu.memory_space<hbm>>
    tpu.enqueue_dma source(%arg7 : memref<32x1024xf32, #tpu.memory_space<vmem>>) target(%dma_start3A_104 : memref<32x1024xf32, #tpu.memory_space<hbm>>) target_semaphore(%arg9 : memref<!tpu.dma_semaphore, #tpu.memory_space<semaphore_mem>>)
    %dma_wait3A_105 = arith.constant 0 : i32
    %dma_wait3A_106 = tpu.memref_slice %arg4[%add3A_72, %dma_wait3A_105] : memref<4096x1024xf32, #tpu.memory_space<hbm>> -> memref<32x1024xf32, #tpu.memory_space<hbm>>
    %dma_wait3A_107 = arith.constant 0 : i32
    %dma_wait3A_108 = tpu.memref_slice %arg4[%add3A_72, %dma_wait3A_107] : memref<4096x1024xf32, #tpu.memory_space<hbm>> -> memref<32x1024xf32, #tpu.memory_space<hbm>>
    tpu.wait_dma2 semaphore(%arg9 : memref<!tpu.dma_semaphore, #tpu.memory_space<semaphore_mem>>) src(%arg6 : memref<32x1024xf32, #tpu.memory_space<vmem>>) dst(%dma_wait3A_108 : memref<32x1024xf32, #tpu.memory_space<hbm>>)
    %dma_wait3A_109 = arith.constant 0 : i32
    %dma_wait3A_110 = tpu.memref_slice %arg4[%add3A_100, %dma_wait3A_109] : memref<4096x1024xf32, #tpu.memory_space<hbm>> -> memref<32x1024xf32, #tpu.memory_space<hbm>>
    %dma_wait3A_111 = arith.constant 0 : i32
    %dma_wait3A_112 = tpu.memref_slice %arg4[%add3A_100, %dma_wait3A_111] : memref<4096x1024xf32, #tpu.memory_space<hbm>> -> memref<32x1024xf32, #tpu.memory_space<hbm>>
    tpu.wait_dma2 semaphore(%arg9 : memref<!tpu.dma_semaphore, #tpu.memory_space<semaphore_mem>>) src(%arg7 : memref<32x1024xf32, #tpu.memory_space<vmem>>) dst(%dma_wait3A_112 : memref<32x1024xf32, #tpu.memory_space<hbm>>)
    return
  }
}

module attributes {stable_mosaic.version = 14 : i64} {
  func.func @_k1_body(%arg0: i32, %arg1: memref<256x4096xf32, #tpu.memory_space<vmem>>, %arg2: memref<256x64xf32, #tpu.memory_space<vmem>>, %arg3: memref<4096x512xbf16, #tpu.memory_space<vmem>>, %arg4: memref<1x512xf32, #tpu.memory_space<vmem>>, %arg5: memref<1x512xf32, #tpu.memory_space<vmem>>, %arg6: memref<1x512xf32, #tpu.memory_space<vmem>>, %arg7: memref<64x1024xbf16, #tpu.memory_space<vmem>>, %arg8: memref<1x1024xf32, #tpu.memory_space<vmem>>, %arg9: memref<1024x512xbf16, #tpu.memory_space<vmem>>, %arg10: memref<1x512xf32, #tpu.memory_space<vmem>>, %arg11: memref<512x1024xbf16, #tpu.memory_space<vmem>>, %arg12: memref<1x1024xf32, #tpu.memory_space<vmem>>, %arg13: memref<1024x512xbf16, #tpu.memory_space<vmem>>, %arg14: memref<1x512xf32, #tpu.memory_space<vmem>>, %arg15: memref<512x1024xbf16, #tpu.memory_space<vmem>>, %arg16: memref<1x1024xf32, #tpu.memory_space<vmem>>, %arg17: memref<1024x256xf32, #tpu.memory_space<vmem>>, %arg18: memref<1x256xf32, #tpu.memory_space<vmem>>, %arg19: memref<256x32xf32, #tpu.memory_space<vmem>>, %arg20: memref<1x32xf32, #tpu.memory_space<vmem>>, %arg21: memref<256x1024xf32, #tpu.memory_space<vmem>>, %arg22: memref<256x4xf32, #tpu.memory_space<vmem>>, %arg23: memref<1024x4xi32, #tpu.memory_space<vmem>>, %arg24: memref<8x64xi32, #tpu.memory_space<vmem>>, %arg25: memref<8x128xf32, #tpu.memory_space<vmem>>, %arg26: memref<8x32xf32, #tpu.memory_space<vmem>>, %arg27: memref<1x32xf32, #tpu.memory_space<vmem>>, %arg28: memref<1024x4xf32, #tpu.memory_space<vmem>>, %arg29: memref<1024x4xf32, #tpu.memory_space<vmem>>) attributes {dimension_semantics = [#tpu.dimension_semantics<arbitrary>], iteration_bounds = array<i64: 4>, scalar_prefetch = 0 : i64, scratch_operands = 4 : i64, tpu.core_type = #tpu.core_type<tc>, window_params = [{transform_indices = @transform_0, window_bounds = array<i64: 256, 4096>}, {transform_indices = @transform_1, window_bounds = array<i64: 256, 64>}, {pipeline_mode = #tpu.pipeline_mode<synchronous>, transform_indices = @transform_2, window_bounds = array<i64: 4096, 512>}, {pipeline_mode = #tpu.pipeline_mode<synchronous>, transform_indices = @transform_3, window_bounds = array<i64: 1, 512>}, {pipeline_mode = #tpu.pipeline_mode<synchronous>, transform_indices = @transform_4, window_bounds = array<i64: 1, 512>}, {pipeline_mode = #tpu.pipeline_mode<synchronous>, transform_indices = @transform_5, window_bounds = array<i64: 1, 512>}, {pipeline_mode = #tpu.pipeline_mode<synchronous>, transform_indices = @transform_6, window_bounds = array<i64: 64, 1024>}, {pipeline_mode = #tpu.pipeline_mode<synchronous>, transform_indices = @transform_7, window_bounds = array<i64: 1, 1024>}, {pipeline_mode = #tpu.pipeline_mode<synchronous>, transform_indices = @transform_8, window_bounds = array<i64: 1024, 512>}, {pipeline_mode = #tpu.pipeline_mode<synchronous>, transform_indices = @transform_9, window_bounds = array<i64: 1, 512>}, {pipeline_mode = #tpu.pipeline_mode<synchronous>, transform_indices = @transform_10, window_bounds = array<i64: 512, 1024>}, {pipeline_mode = #tpu.pipeline_mode<synchronous>, transform_indices = @transform_11, window_bounds = array<i64: 1, 1024>}, {pipeline_mode = #tpu.pipeline_mode<synchronous>, transform_indices = @transform_12, window_bounds = array<i64: 1024, 512>}, {pipeline_mode = #tpu.pipeline_mode<synchronous>, transform_indices = @transform_13, window_bounds = array<i64: 1, 512>}, {pipeline_mode = #tpu.pipeline_mode<synchronous>, transform_indices = @transform_14, window_bounds = array<i64: 512, 1024>}, {pipeline_mode = #tpu.pipeline_mode<synchronous>, transform_indices = @transform_15, window_bounds = array<i64: 1, 1024>}, {pipeline_mode = #tpu.pipeline_mode<synchronous>, transform_indices = @transform_16, window_bounds = array<i64: 1024, 256>}, {pipeline_mode = #tpu.pipeline_mode<synchronous>, transform_indices = @transform_17, window_bounds = array<i64: 1, 256>}, {pipeline_mode = #tpu.pipeline_mode<synchronous>, transform_indices = @transform_18, window_bounds = array<i64: 256, 32>}, {pipeline_mode = #tpu.pipeline_mode<synchronous>, transform_indices = @transform_19, window_bounds = array<i64: 1, 32>}, {transform_indices = @transform_20, window_bounds = array<i64: 256, 1024>}, {transform_indices = @transform_21, window_bounds = array<i64: 256, 4>}, {pipeline_mode = #tpu.pipeline_mode<synchronous>, transform_indices = @transform_22, window_bounds = array<i64: 1024, 4>}, {pipeline_mode = #tpu.pipeline_mode<synchronous>, transform_indices = @transform_23, window_bounds = array<i64: 8, 64>}, {pipeline_mode = #tpu.pipeline_mode<synchronous>, transform_indices = @transform_24, window_bounds = array<i64: 8, 128>}]} {
    %get3A = arith.constant 0 : index
    %get3A_0 = arith.constant 0 : index
    %get3A_1 = vector.load %arg1[%get3A, %get3A_0] : memref<256x4096xf32, #tpu.memory_space<vmem>>, vector<256x4096xf32>
    %get3A_2 = arith.constant 0 : index
    %get3A_3 = arith.constant 0 : index
    %get3A_4 = vector.load %arg3[%get3A_2, %get3A_3] : memref<4096x512xbf16, #tpu.memory_space<vmem>>, vector<4096x512xbf16>
    %convert_element_type3A = arith.truncf %get3A_1 : vector<256x4096xf32> to vector<256x4096xbf16>
    %dot_general3A = arith.constant dense<0.000000e+00> : vector<256x512xf32>
    %dot_general3A_5 = tpu.matmul %convert_element_type3A, %get3A_4, %dot_general3A {dimension_numbers = #tpu.dot_dimension_numbers<[1], [0], [0], [1], [0, 0, 1, 1], [], []>, transpose_lhs_hint = false} : vector<256x4096xbf16>, vector<4096x512xbf16>, vector<256x512xf32> -> vector<256x512xf32>
    %get3A_6 = arith.constant 0 : index
    %get3A_7 = arith.constant 0 : index
    %get3A_8 = vector.load %arg4[%get3A_6, %get3A_7] : memref<1x512xf32, #tpu.memory_space<vmem>>, vector<1x512xf32>
    %add3A = vector.broadcast %get3A_8 : vector<1x512xf32> to vector<256x512xf32>
    %add3A_9 = arith.addf %dot_general3A_5, %add3A : vector<256x512xf32>
    %reduce_sum3A = arith.constant dense<0.000000e+00> : vector<256xf32>
    %reduce_sum3A_10 = vector.multi_reduction <add>, %add3A_9, %reduce_sum3A [1] : vector<256x512xf32> to vector<256xf32>
    %broadcast_in_dim3A = vector.shape_cast %reduce_sum3A_10 : vector<256xf32> to vector<256x1xf32>
    %div3A = arith.constant 5.120000e+02 : f32
    %div3A_11 = vector.broadcast %div3A : f32 to vector<256x1xf32>
    %div3A_12 = arith.divf %broadcast_in_dim3A, %div3A_11 : vector<256x1xf32>
    %sub3A = vector.broadcast %div3A_12 : vector<256x1xf32> to vector<256x512xf32>
    %sub3A_13 = arith.subf %add3A_9, %sub3A : vector<256x512xf32>
    %integer_pow3A = arith.mulf %sub3A_13, %sub3A_13 : vector<256x512xf32>
    %reduce_sum3A_14 = arith.constant dense<0.000000e+00> : vector<256xf32>
    %reduce_sum3A_15 = vector.multi_reduction <add>, %integer_pow3A, %reduce_sum3A_14 [1] : vector<256x512xf32> to vector<256xf32>
    %broadcast_in_dim3A_16 = vector.shape_cast %reduce_sum3A_15 : vector<256xf32> to vector<256x1xf32>
    %div3A_17 = arith.constant 5.120000e+02 : f32
    %div3A_18 = vector.broadcast %div3A_17 : f32 to vector<256x1xf32>
    %div3A_19 = arith.divf %broadcast_in_dim3A_16, %div3A_18 : vector<256x1xf32>
    %sub3A_20 = vector.broadcast %div3A_12 : vector<256x1xf32> to vector<256x512xf32>
    %sub3A_21 = arith.subf %add3A_9, %sub3A_20 : vector<256x512xf32>
    %add3A_22 = arith.constant 9.99999974E-6 : f32
    %add3A_23 = vector.broadcast %add3A_22 : f32 to vector<256x1xf32>
    %add3A_24 = arith.addf %div3A_19, %add3A_23 : vector<256x1xf32>
    %sqrt3A = math.sqrt %add3A_24 : vector<256x1xf32>
    %div3A_25 = vector.broadcast %sqrt3A : vector<256x1xf32> to vector<256x512xf32>
    %div3A_26 = arith.divf %sub3A_21, %div3A_25 : vector<256x512xf32>
    %get3A_27 = arith.constant 0 : index
    %get3A_28 = arith.constant 0 : index
    %get3A_29 = vector.load %arg5[%get3A_27, %get3A_28] : memref<1x512xf32, #tpu.memory_space<vmem>>, vector<1x512xf32>
    %mul3A = vector.broadcast %get3A_29 : vector<1x512xf32> to vector<256x512xf32>
    %mul3A_30 = arith.mulf %div3A_26, %mul3A : vector<256x512xf32>
    %get3A_31 = arith.constant 0 : index
    %get3A_32 = arith.constant 0 : index
    %get3A_33 = vector.load %arg6[%get3A_31, %get3A_32] : memref<1x512xf32, #tpu.memory_space<vmem>>, vector<1x512xf32>
    %add3A_34 = vector.broadcast %get3A_33 : vector<1x512xf32> to vector<256x512xf32>
    %add3A_35 = arith.addf %mul3A_30, %add3A_34 : vector<256x512xf32>
    %tanh3A = math.tanh %add3A_35 : vector<256x512xf32>
    %get3A_36 = arith.constant 0 : index
    %get3A_37 = arith.constant 0 : index
    %get3A_38 = vector.load %arg2[%get3A_36, %get3A_37] : memref<256x64xf32, #tpu.memory_space<vmem>>, vector<256x64xf32>
    %get3A_39 = arith.constant 0 : index
    %get3A_40 = arith.constant 0 : index
    %get3A_41 = vector.load %arg7[%get3A_39, %get3A_40] : memref<64x1024xbf16, #tpu.memory_space<vmem>>, vector<64x1024xbf16>
    %convert_element_type3A_42 = arith.truncf %get3A_38 : vector<256x64xf32> to vector<256x64xbf16>
    %dot_general3A_43 = arith.constant dense<0.000000e+00> : vector<256x1024xf32>
    %dot_general3A_44 = tpu.matmul %convert_element_type3A_42, %get3A_41, %dot_general3A_43 {dimension_numbers = #tpu.dot_dimension_numbers<[1], [0], [0], [1], [0, 0, 1, 1], [], []>, transpose_lhs_hint = false} : vector<256x64xbf16>, vector<64x1024xbf16>, vector<256x1024xf32> -> vector<256x1024xf32>
    %get3A_45 = arith.constant 0 : index
    %get3A_46 = arith.constant 0 : index
    %get3A_47 = vector.load %arg8[%get3A_45, %get3A_46] : memref<1x1024xf32, #tpu.memory_space<vmem>>, vector<1x1024xf32>
    %add3A_48 = vector.broadcast %get3A_47 : vector<1x1024xf32> to vector<256x1024xf32>
    %add3A_49 = arith.addf %dot_general3A_44, %add3A_48 : vector<256x1024xf32>
    %max3A = arith.constant 0.000000e+00 : f32
    %max3A_50 = vector.broadcast %max3A : f32 to vector<256x1024xf32>
    %max3A_51 = arith.maximumf %add3A_49, %max3A_50 : vector<256x1024xf32>
    %get3A_52 = arith.constant 0 : index
    %get3A_53 = arith.constant 0 : index
    %get3A_54 = vector.load %arg9[%get3A_52, %get3A_53] : memref<1024x512xbf16, #tpu.memory_space<vmem>>, vector<1024x512xbf16>
    %convert_element_type3A_55 = arith.truncf %max3A_51 : vector<256x1024xf32> to vector<256x1024xbf16>
    %dot_general3A_56 = arith.constant dense<0.000000e+00> : vector<256x512xf32>
    %dot_general3A_57 = tpu.matmul %convert_element_type3A_55, %get3A_54, %dot_general3A_56 {dimension_numbers = #tpu.dot_dimension_numbers<[1], [0], [0], [1], [0, 0, 1, 1], [], []>, transpose_lhs_hint = false} : vector<256x1024xbf16>, vector<1024x512xbf16>, vector<256x512xf32> -> vector<256x512xf32>
    %add3A_58 = arith.addf %tanh3A, %dot_general3A_57 : vector<256x512xf32>
    %get3A_59 = arith.constant 0 : index
    %get3A_60 = arith.constant 0 : index
    %get3A_61 = vector.load %arg10[%get3A_59, %get3A_60] : memref<1x512xf32, #tpu.memory_space<vmem>>, vector<1x512xf32>
    %add3A_62 = vector.broadcast %get3A_61 : vector<1x512xf32> to vector<256x512xf32>
    %add3A_63 = arith.addf %add3A_58, %add3A_62 : vector<256x512xf32>
    %get3A_64 = arith.constant 0 : index
    %get3A_65 = arith.constant 0 : index
    %get3A_66 = vector.load %arg11[%get3A_64, %get3A_65] : memref<512x1024xbf16, #tpu.memory_space<vmem>>, vector<512x1024xbf16>
    %convert_element_type3A_67 = arith.truncf %add3A_63 : vector<256x512xf32> to vector<256x512xbf16>
    %dot_general3A_68 = arith.constant dense<0.000000e+00> : vector<256x1024xf32>
    %dot_general3A_69 = tpu.matmul %convert_element_type3A_67, %get3A_66, %dot_general3A_68 {dimension_numbers = #tpu.dot_dimension_numbers<[1], [0], [0], [1], [0, 0, 1, 1], [], []>, transpose_lhs_hint = false} : vector<256x512xbf16>, vector<512x1024xbf16>, vector<256x1024xf32> -> vector<256x1024xf32>
    %get3A_70 = arith.constant 0 : index
    %get3A_71 = arith.constant 0 : index
    %get3A_72 = vector.load %arg12[%get3A_70, %get3A_71] : memref<1x1024xf32, #tpu.memory_space<vmem>>, vector<1x1024xf32>
    %add3A_73 = vector.broadcast %get3A_72 : vector<1x1024xf32> to vector<256x1024xf32>
    %add3A_74 = arith.addf %dot_general3A_69, %add3A_73 : vector<256x1024xf32>
    %max3A_75 = arith.constant 0.000000e+00 : f32
    %max3A_76 = vector.broadcast %max3A_75 : f32 to vector<256x1024xf32>
    %max3A_77 = arith.maximumf %add3A_74, %max3A_76 : vector<256x1024xf32>
    %get3A_78 = arith.constant 0 : index
    %get3A_79 = arith.constant 0 : index
    %get3A_80 = vector.load %arg13[%get3A_78, %get3A_79] : memref<1024x512xbf16, #tpu.memory_space<vmem>>, vector<1024x512xbf16>
    %convert_element_type3A_81 = arith.truncf %max3A_77 : vector<256x1024xf32> to vector<256x1024xbf16>
    %dot_general3A_82 = arith.constant dense<0.000000e+00> : vector<256x512xf32>
    %dot_general3A_83 = tpu.matmul %convert_element_type3A_81, %get3A_80, %dot_general3A_82 {dimension_numbers = #tpu.dot_dimension_numbers<[1], [0], [0], [1], [0, 0, 1, 1], [], []>, transpose_lhs_hint = false} : vector<256x1024xbf16>, vector<1024x512xbf16>, vector<256x512xf32> -> vector<256x512xf32>
    %get3A_84 = arith.constant 0 : index
    %get3A_85 = arith.constant 0 : index
    %get3A_86 = vector.load %arg14[%get3A_84, %get3A_85] : memref<1x512xf32, #tpu.memory_space<vmem>>, vector<1x512xf32>
    %add3A_87 = vector.broadcast %get3A_86 : vector<1x512xf32> to vector<256x512xf32>
    %add3A_88 = arith.addf %dot_general3A_83, %add3A_87 : vector<256x512xf32>
    %get3A_89 = arith.constant 0 : index
    %get3A_90 = arith.constant 0 : index
    %get3A_91 = vector.load %arg15[%get3A_89, %get3A_90] : memref<512x1024xbf16, #tpu.memory_space<vmem>>, vector<512x1024xbf16>
    %convert_element_type3A_92 = arith.truncf %add3A_88 : vector<256x512xf32> to vector<256x512xbf16>
    %dot_general3A_93 = arith.constant dense<0.000000e+00> : vector<256x1024xf32>
    %dot_general3A_94 = tpu.matmul %convert_element_type3A_92, %get3A_91, %dot_general3A_93 {dimension_numbers = #tpu.dot_dimension_numbers<[1], [0], [0], [1], [0, 0, 1, 1], [], []>, transpose_lhs_hint = false} : vector<256x512xbf16>, vector<512x1024xbf16>, vector<256x1024xf32> -> vector<256x1024xf32>
    %get3A_95 = arith.constant 0 : index
    %get3A_96 = arith.constant 0 : index
    %get3A_97 = vector.load %arg16[%get3A_95, %get3A_96] : memref<1x1024xf32, #tpu.memory_space<vmem>>, vector<1x1024xf32>
    %add3A_98 = vector.broadcast %get3A_97 : vector<1x1024xf32> to vector<256x1024xf32>
    %add3A_99 = arith.addf %dot_general3A_94, %add3A_98 : vector<256x1024xf32>
    %max3A_100 = arith.constant 0.000000e+00 : f32
    %max3A_101 = vector.broadcast %max3A_100 : f32 to vector<256x1024xf32>
    %max3A_102 = arith.maximumf %add3A_99, %max3A_101 : vector<256x1024xf32>
    %swap3A = arith.constant 0 : index
    %swap3A_103 = arith.constant 0 : index
    %swap3A_104 = vector.load %arg21[%swap3A, %swap3A_103] : memref<256x1024xf32, #tpu.memory_space<vmem>>, vector<256x1024xf32>
    tpu.vector_store %arg21[%swap3A, %swap3A_103], %max3A_102 {strides = array<i32>} : memref<256x1024xf32, #tpu.memory_space<vmem>>, vector<256x1024xf32>,
    %get3A_105 = arith.constant 0 : index
    %get3A_106 = arith.constant 0 : index
    %get3A_107 = vector.load %arg17[%get3A_105, %get3A_106] : memref<1024x256xf32, #tpu.memory_space<vmem>>, vector<1024x256xf32>
    %dot_general3A_108 = arith.constant dense<0.000000e+00> : vector<256x256xf32>
    %dot_general3A_109 = tpu.matmul %max3A_102, %get3A_107, %dot_general3A_108 {dimension_numbers = #tpu.dot_dimension_numbers<[1], [0], [0], [1], [0, 0, 1, 1], [], []>, transpose_lhs_hint = false} : vector<256x1024xf32>, vector<1024x256xf32>, vector<256x256xf32> -> vector<256x256xf32>
    %get3A_110 = arith.constant 0 : index
    %get3A_111 = arith.constant 0 : index
    %get3A_112 = vector.load %arg18[%get3A_110, %get3A_111] : memref<1x256xf32, #tpu.memory_space<vmem>>, vector<1x256xf32>
    %add3A_113 = vector.broadcast %get3A_112 : vector<1x256xf32> to vector<256x256xf32>
    %add3A_114 = arith.addf %dot_general3A_109, %add3A_113 : vector<256x256xf32>
    %max3A_115 = arith.constant 0.000000e+00 : f32
    %max3A_116 = vector.broadcast %max3A_115 : f32 to vector<256x256xf32>
    %max3A_117 = arith.maximumf %add3A_114, %max3A_116 : vector<256x256xf32>
    %get3A_118 = arith.constant 0 : index
    %get3A_119 = arith.constant 0 : index
    %get3A_120 = vector.load %arg19[%get3A_118, %get3A_119] : memref<256x32xf32, #tpu.memory_space<vmem>>, vector<256x32xf32>
    %dot_general3A_121 = arith.constant dense<0.000000e+00> : vector<256x32xf32>
    %dot_general3A_122 = tpu.matmul %max3A_117, %get3A_120, %dot_general3A_121 {dimension_numbers = #tpu.dot_dimension_numbers<[1], [0], [0], [1], [0, 0, 1, 1], [], []>, transpose_lhs_hint = false} : vector<256x256xf32>, vector<256x32xf32>, vector<256x32xf32> -> vector<256x32xf32>
    %get3A_123 = arith.constant 0 : index
    %get3A_124 = arith.constant 0 : index
    %get3A_125 = vector.load %arg20[%get3A_123, %get3A_124] : memref<1x32xf32, #tpu.memory_space<vmem>>, vector<1x32xf32>
    %add3A_126 = vector.broadcast %get3A_125 : vector<1x32xf32> to vector<256x32xf32>
    %add3A_127 = arith.addf %dot_general3A_122, %add3A_126 : vector<256x32xf32>
    %reduce_max3A = arith.constant dense<0xFF800000> : vector<256xf32>
    %reduce_max3A_128 = vector.multi_reduction <maximumf>, %add3A_127, %reduce_max3A [1] : vector<256x32xf32> to vector<256xf32>
    %broadcast_in_dim3A_129 = vector.shape_cast %reduce_max3A_128 : vector<256xf32> to vector<256x1xf32>
    %sub3A_130 = vector.broadcast %broadcast_in_dim3A_129 : vector<256x1xf32> to vector<256x32xf32>
    %sub3A_131 = arith.subf %add3A_127, %sub3A_130 : vector<256x32xf32>
    %exp3A = math.exp %sub3A_131 : vector<256x32xf32>
    %reduce_sum3A_132 = arith.constant dense<0.000000e+00> : vector<256xf32>
    %reduce_sum3A_133 = vector.multi_reduction <add>, %exp3A, %reduce_sum3A_132 [1] : vector<256x32xf32> to vector<256xf32>
    %broadcast_in_dim3A_134 = vector.shape_cast %reduce_sum3A_133 : vector<256xf32> to vector<256x1xf32>
    %div3A_135 = vector.broadcast %broadcast_in_dim3A_134 : vector<256x1xf32> to vector<256x32xf32>
    %div3A_136 = arith.divf %exp3A, %div3A_135 : vector<256x32xf32>
    %eq3A = arith.constant 0 : i32
    %eq3A_137 = arith.cmpi eq, %arg0, %eq3A : i32
    %convert_element_type3A_138 = arith.extui %eq3A_137 : i1 to i32
    %cond3A = arith.constant 0 : i32
    %cond3A_139 = arith.cmpi ne, %convert_element_type3A_138, %cond3A : i32
    scf.if %cond3A_139 {
      %broadcast_in_dim3A_399 = arith.constant 0.000000e+00 : f32
      %broadcast_in_dim3A_400 = vector.broadcast %broadcast_in_dim3A_399 : f32 to vector<8x32xf32>
      %swap3A_401 = arith.constant 0 : index
      %swap3A_402 = arith.constant 0 : index
      %swap3A_403 = vector.load %arg26[%swap3A_401, %swap3A_402] : memref<8x32xf32, #tpu.memory_space<vmem>>, vector<8x32xf32>
      tpu.vector_store %arg26[%swap3A_401, %swap3A_402], %broadcast_in_dim3A_400 {strides = array<i32>} : memref<8x32xf32, #tpu.memory_space<vmem>>, vector<8x32xf32>,
      %broadcast_in_dim3A_404 = arith.constant 0.000000e+00 : f32
      %broadcast_in_dim3A_405 = vector.broadcast %broadcast_in_dim3A_404 : f32 to vector<1x32xf32>
      %swap3A_406 = arith.constant 0 : index
      %swap3A_407 = arith.constant 0 : index
      %swap3A_408 = vector.load %arg27[%swap3A_406, %swap3A_407] : memref<1x32xf32, #tpu.memory_space<vmem>>, vector<1x32xf32>
      tpu.vector_store %arg27[%swap3A_406, %swap3A_407], %broadcast_in_dim3A_405 {strides = array<i32>} : memref<1x32xf32, #tpu.memory_space<vmem>>, vector<1x32xf32>,
    } else {
    }
    %iota3A = tpu.iota {dimensions = array<i32: 0>} : vector<32x32xi32>
    %iota3A_140 = tpu.iota {dimensions = array<i32: 1>} : vector<32x32xi32>
    %le3A = arith.cmpi sle, %iota3A, %iota3A_140 : vector<32x32xi32>
    %convert_element_type3A_141 = arith.extui %le3A : vector<32x32xi1> to vector<32x32xi32>
    %convert_element_type3A_142 = arith.sitofp %convert_element_type3A_141 : vector<32x32xi32> to vector<32x32xf32>
    %iota3A_143 = tpu.iota {dimensions = array<i32: 0>} : vector<256x256xi32>
    %iota3A_144 = tpu.iota {dimensions = array<i32: 1>} : vector<256x256xi32>
    %gt3A = arith.cmpi sgt, %iota3A_143, %iota3A_144 : vector<256x256xi32>
    %convert_element_type3A_145 = arith.extui %gt3A : vector<256x256xi1> to vector<256x256xi32>
    %convert_element_type3A_146 = arith.sitofp %convert_element_type3A_145 : vector<256x256xi32> to vector<256x256xf32>
    %iota3A_147 = tpu.iota {dimensions = array<i32: 1>} : vector<1x32xi32>
    %convert_element_type3A_148 = arith.sitofp %iota3A_147 : vector<1x32xi32> to vector<1x32xf32>
    %broadcast_in_dim3A_149 = arith.constant 0.000000e+00 : f32
    %broadcast_in_dim3A_150 = vector.broadcast %broadcast_in_dim3A_149 : f32 to vector<256x32xf32>
    %reduce_max3A_151 = arith.constant dense<0xFF800000> : vector<256xf32>
    %reduce_max3A_152 = vector.multi_reduction <maximumf>, %div3A_136, %reduce_max3A_151 [1] : vector<256x32xf32> to vector<256xf32>
    %broadcast_in_dim3A_153 = vector.shape_cast %reduce_max3A_152 : vector<256xf32> to vector<256x1xf32>
    %eq3A_154 = vector.broadcast %broadcast_in_dim3A_153 : vector<256x1xf32> to vector<256x32xf32>
    %eq3A_155 = arith.cmpf oeq, %div3A_136, %eq3A_154 : vector<256x32xf32>
    %convert_element_type3A_156 = arith.extui %eq3A_155 : vector<256x32xi1> to vector<256x32xi32>
    %convert_element_type3A_157 = arith.sitofp %convert_element_type3A_156 : vector<256x32xi32> to vector<256x32xf32>
    %dot_general3A_158 = arith.constant dense<0.000000e+00> : vector<256x32xf32>
    %dot_general3A_159 = tpu.matmul %convert_element_type3A_157, %convert_element_type3A_142, %dot_general3A_158 {dimension_numbers = #tpu.dot_dimension_numbers<[1], [0], [0], [1], [0, 0, 1, 1], [], []>, transpose_lhs_hint = false} : vector<256x32xf32>, vector<32x32xf32>, vector<256x32xf32> -> vector<256x32xf32>
    %eq3A_160 = arith.constant 1.000000e+00 : f32
    %eq3A_161 = vector.broadcast %eq3A_160 : f32 to vector<256x32xf32>
    %eq3A_162 = arith.cmpf oeq, %dot_general3A_159, %eq3A_161 : vector<256x32xf32>
    %convert_element_type3A_163 = arith.extui %eq3A_162 : vector<256x32xi1> to vector<256x32xi32>
    %convert_element_type3A_164 = arith.sitofp %convert_element_type3A_163 : vector<256x32xi32> to vector<256x32xf32>
    %mul3A_165 = arith.mulf %convert_element_type3A_157, %convert_element_type3A_164 : vector<256x32xf32>
    %mul3A_166 = vector.broadcast %convert_element_type3A_148 : vector<1x32xf32> to vector<256x32xf32>
    %mul3A_167 = arith.mulf %mul3A_165, %mul3A_166 : vector<256x32xf32>
    %reduce_sum3A_168 = arith.constant dense<0.000000e+00> : vector<256xf32>
    %reduce_sum3A_169 = vector.multi_reduction <add>, %mul3A_167, %reduce_sum3A_168 [1] : vector<256x32xf32> to vector<256xf32>
    %broadcast_in_dim3A_170 = vector.shape_cast %reduce_sum3A_169 : vector<256xf32> to vector<256x1xf32>
    %mul3A_171 = arith.mulf %mul3A_165, %div3A_136 : vector<256x32xf32>
    %reduce_sum3A_172 = arith.constant dense<0.000000e+00> : vector<256xf32>
    %reduce_sum3A_173 = vector.multi_reduction <add>, %mul3A_171, %reduce_sum3A_172 [1] : vector<256x32xf32> to vector<256xf32>
    %broadcast_in_dim3A_174 = vector.shape_cast %reduce_sum3A_173 : vector<256xf32> to vector<256x1xf32>
    %dot_general3A_175 = arith.constant dense<0.000000e+00> : vector<256x32xf32>
    %dot_general3A_176 = tpu.matmul %convert_element_type3A_146, %mul3A_165, %dot_general3A_175 {dimension_numbers = #tpu.dot_dimension_numbers<[1], [0], [0], [1], [0, 0, 1, 1], [], []>, transpose_lhs_hint = false} : vector<256x256xf32>, vector<256x32xf32>, vector<256x32xf32> -> vector<256x32xf32>
    %get3A_177 = arith.constant 0 : index
    %get3A_178 = arith.constant 0 : index
    %get3A_179 = vector.load %arg27[%get3A_177, %get3A_178] : memref<1x32xf32, #tpu.memory_space<vmem>>, vector<1x32xf32>
    %add3A_180 = vector.broadcast %get3A_179 : vector<1x32xf32> to vector<256x32xf32>
    %add3A_181 = arith.addf %add3A_180, %dot_general3A_176 : vector<256x32xf32>
    %mul3A_182 = arith.mulf %mul3A_165, %add3A_181 : vector<256x32xf32>
    %reduce_sum3A_183 = arith.constant dense<0.000000e+00> : vector<256xf32>
    %reduce_sum3A_184 = vector.multi_reduction <add>, %mul3A_182, %reduce_sum3A_183 [1] : vector<256x32xf32> to vector<256xf32>
    %broadcast_in_dim3A_185 = vector.shape_cast %reduce_sum3A_184 : vector<256xf32> to vector<256x1xf32>
    %reduce_sum3A_186 = arith.constant dense<0.000000e+00> : vector<32xf32>
    %reduce_sum3A_187 = vector.multi_reduction <add>, %mul3A_165, %reduce_sum3A_186 [0] : vector<256x32xf32> to vector<32xf32>
    %broadcast_in_dim3A_188 = vector.shape_cast %reduce_sum3A_187 : vector<32xf32> to vector<1x32xf32>
    %add3A_189 = arith.addf %get3A_179, %broadcast_in_dim3A_188 : vector<1x32xf32>
    %swap3A_190 = arith.constant 0 : index
    %swap3A_191 = arith.constant 0 : index
    %swap3A_192 = vector.load %arg27[%swap3A_190, %swap3A_191] : memref<1x32xf32, #tpu.memory_space<vmem>>, vector<1x32xf32>
    tpu.vector_store %arg27[%swap3A_190, %swap3A_191], %add3A_189 {strides = array<i32>} : memref<1x32xf32, #tpu.memory_space<vmem>>, vector<1x32xf32>,
    %add3A_193 = arith.addf %broadcast_in_dim3A_150, %mul3A_165 : vector<256x32xf32>
    %add3A_194 = arith.constant 1.000000e+00 : f32
    %add3A_195 = vector.broadcast %add3A_194 : f32 to vector<256x32xf32>
    %add3A_196 = arith.addf %div3A_136, %add3A_195 : vector<256x32xf32>
    %mul3A_197 = arith.mulf %mul3A_165, %add3A_196 : vector<256x32xf32>
    %sub3A_198 = arith.subf %div3A_136, %mul3A_197 : vector<256x32xf32>
    %reduce_max3A_199 = arith.constant dense<0xFF800000> : vector<256xf32>
    %reduce_max3A_200 = vector.multi_reduction <maximumf>, %sub3A_198, %reduce_max3A_199 [1] : vector<256x32xf32> to vector<256xf32>
    %broadcast_in_dim3A_201 = vector.shape_cast %reduce_max3A_200 : vector<256xf32> to vector<256x1xf32>
    %eq3A_202 = vector.broadcast %broadcast_in_dim3A_201 : vector<256x1xf32> to vector<256x32xf32>
    %eq3A_203 = arith.cmpf oeq, %sub3A_198, %eq3A_202 : vector<256x32xf32>
    %convert_element_type3A_204 = arith.extui %eq3A_203 : vector<256x32xi1> to vector<256x32xi32>
    %convert_element_type3A_205 = arith.sitofp %convert_element_type3A_204 : vector<256x32xi32> to vector<256x32xf32>
    %dot_general3A_206 = arith.constant dense<0.000000e+00> : vector<256x32xf32>
    %dot_general3A_207 = tpu.matmul %convert_element_type3A_205, %convert_element_type3A_142, %dot_general3A_206 {dimension_numbers = #tpu.dot_dimension_numbers<[1], [0], [0], [1], [0, 0, 1, 1], [], []>, transpose_lhs_hint = false} : vector<256x32xf32>, vector<32x32xf32>, vector<256x32xf32> -> vector<256x32xf32>
    %eq3A_208 = arith.constant 1.000000e+00 : f32
    %eq3A_209 = vector.broadcast %eq3A_208 : f32 to vector<256x32xf32>
    %eq3A_210 = arith.cmpf oeq, %dot_general3A_207, %eq3A_209 : vector<256x32xf32>
    %convert_element_type3A_211 = arith.extui %eq3A_210 : vector<256x32xi1> to vector<256x32xi32>
    %convert_element_type3A_212 = arith.sitofp %convert_element_type3A_211 : vector<256x32xi32> to vector<256x32xf32>
    %mul3A_213 = arith.mulf %convert_element_type3A_205, %convert_element_type3A_212 : vector<256x32xf32>
    %mul3A_214 = vector.broadcast %convert_element_type3A_148 : vector<1x32xf32> to vector<256x32xf32>
    %mul3A_215 = arith.mulf %mul3A_213, %mul3A_214 : vector<256x32xf32>
    %reduce_sum3A_216 = arith.constant dense<0.000000e+00> : vector<256xf32>
    %reduce_sum3A_217 = vector.multi_reduction <add>, %mul3A_215, %reduce_sum3A_216 [1] : vector<256x32xf32> to vector<256xf32>
    %broadcast_in_dim3A_218 = vector.shape_cast %reduce_sum3A_217 : vector<256xf32> to vector<256x1xf32>
    %mul3A_219 = arith.mulf %mul3A_213, %div3A_136 : vector<256x32xf32>
    %reduce_sum3A_220 = arith.constant dense<0.000000e+00> : vector<256xf32>
    %reduce_sum3A_221 = vector.multi_reduction <add>, %mul3A_219, %reduce_sum3A_220 [1] : vector<256x32xf32> to vector<256xf32>
    %broadcast_in_dim3A_222 = vector.shape_cast %reduce_sum3A_221 : vector<256xf32> to vector<256x1xf32>
    %dot_general3A_223 = arith.constant dense<0.000000e+00> : vector<256x32xf32>
    %dot_general3A_224 = tpu.matmul %convert_element_type3A_146, %mul3A_213, %dot_general3A_223 {dimension_numbers = #tpu.dot_dimension_numbers<[1], [0], [0], [1], [0, 0, 1, 1], [], []>, transpose_lhs_hint = false} : vector<256x256xf32>, vector<256x32xf32>, vector<256x32xf32> -> vector<256x32xf32>
    %get3A_225 = arith.constant 0 : index
    %get3A_226 = arith.constant 0 : index
    %get3A_227 = vector.load %arg27[%get3A_225, %get3A_226] : memref<1x32xf32, #tpu.memory_space<vmem>>, vector<1x32xf32>
    %add3A_228 = vector.broadcast %get3A_227 : vector<1x32xf32> to vector<256x32xf32>
    %add3A_229 = arith.addf %add3A_228, %dot_general3A_224 : vector<256x32xf32>
    %mul3A_230 = arith.mulf %mul3A_213, %add3A_229 : vector<256x32xf32>
    %reduce_sum3A_231 = arith.constant dense<0.000000e+00> : vector<256xf32>
    %reduce_sum3A_232 = vector.multi_reduction <add>, %mul3A_230, %reduce_sum3A_231 [1] : vector<256x32xf32> to vector<256xf32>
    %broadcast_in_dim3A_233 = vector.shape_cast %reduce_sum3A_232 : vector<256xf32> to vector<256x1xf32>
    %reduce_sum3A_234 = arith.constant dense<0.000000e+00> : vector<32xf32>
    %reduce_sum3A_235 = vector.multi_reduction <add>, %mul3A_213, %reduce_sum3A_234 [0] : vector<256x32xf32> to vector<32xf32>
    %broadcast_in_dim3A_236 = vector.shape_cast %reduce_sum3A_235 : vector<32xf32> to vector<1x32xf32>
    %add3A_237 = arith.addf %get3A_227, %broadcast_in_dim3A_236 : vector<1x32xf32>
    %swap3A_238 = arith.constant 0 : index
    %swap3A_239 = arith.constant 0 : index
    %swap3A_240 = vector.load %arg27[%swap3A_238, %swap3A_239] : memref<1x32xf32, #tpu.memory_space<vmem>>, vector<1x32xf32>
    tpu.vector_store %arg27[%swap3A_238, %swap3A_239], %add3A_237 {strides = array<i32>} : memref<1x32xf32, #tpu.memory_space<vmem>>, vector<1x32xf32>,
    %add3A_241 = arith.addf %add3A_193, %mul3A_213 : vector<256x32xf32>
    %add3A_242 = arith.constant 1.000000e+00 : f32
    %add3A_243 = vector.broadcast %add3A_242 : f32 to vector<256x32xf32>
    %add3A_244 = arith.addf %sub3A_198, %add3A_243 : vector<256x32xf32>
    %mul3A_245 = arith.mulf %mul3A_213, %add3A_244 : vector<256x32xf32>
    %sub3A_246 = arith.subf %sub3A_198, %mul3A_245 : vector<256x32xf32>
    %reduce_max3A_247 = arith.constant dense<0xFF800000> : vector<256xf32>
    %reduce_max3A_248 = vector.multi_reduction <maximumf>, %sub3A_246, %reduce_max3A_247 [1] : vector<256x32xf32> to vector<256xf32>
    %broadcast_in_dim3A_249 = vector.shape_cast %reduce_max3A_248 : vector<256xf32> to vector<256x1xf32>
    %eq3A_250 = vector.broadcast %broadcast_in_dim3A_249 : vector<256x1xf32> to vector<256x32xf32>
    %eq3A_251 = arith.cmpf oeq, %sub3A_246, %eq3A_250 : vector<256x32xf32>
    %convert_element_type3A_252 = arith.extui %eq3A_251 : vector<256x32xi1> to vector<256x32xi32>
    %convert_element_type3A_253 = arith.sitofp %convert_element_type3A_252 : vector<256x32xi32> to vector<256x32xf32>
    %dot_general3A_254 = arith.constant dense<0.000000e+00> : vector<256x32xf32>
    %dot_general3A_255 = tpu.matmul %convert_element_type3A_253, %convert_element_type3A_142, %dot_general3A_254 {dimension_numbers = #tpu.dot_dimension_numbers<[1], [0], [0], [1], [0, 0, 1, 1], [], []>, transpose_lhs_hint = false} : vector<256x32xf32>, vector<32x32xf32>, vector<256x32xf32> -> vector<256x32xf32>
    %eq3A_256 = arith.constant 1.000000e+00 : f32
    %eq3A_257 = vector.broadcast %eq3A_256 : f32 to vector<256x32xf32>
    %eq3A_258 = arith.cmpf oeq, %dot_general3A_255, %eq3A_257 : vector<256x32xf32>
    %convert_element_type3A_259 = arith.extui %eq3A_258 : vector<256x32xi1> to vector<256x32xi32>
    %convert_element_type3A_260 = arith.sitofp %convert_element_type3A_259 : vector<256x32xi32> to vector<256x32xf32>
    %mul3A_261 = arith.mulf %convert_element_type3A_253, %convert_element_type3A_260 : vector<256x32xf32>
    %mul3A_262 = vector.broadcast %convert_element_type3A_148 : vector<1x32xf32> to vector<256x32xf32>
    %mul3A_263 = arith.mulf %mul3A_261, %mul3A_262 : vector<256x32xf32>
    %reduce_sum3A_264 = arith.constant dense<0.000000e+00> : vector<256xf32>
    %reduce_sum3A_265 = vector.multi_reduction <add>, %mul3A_263, %reduce_sum3A_264 [1] : vector<256x32xf32> to vector<256xf32>
    %broadcast_in_dim3A_266 = vector.shape_cast %reduce_sum3A_265 : vector<256xf32> to vector<256x1xf32>
    %mul3A_267 = arith.mulf %mul3A_261, %div3A_136 : vector<256x32xf32>
    %reduce_sum3A_268 = arith.constant dense<0.000000e+00> : vector<256xf32>
    %reduce_sum3A_269 = vector.multi_reduction <add>, %mul3A_267, %reduce_sum3A_268 [1] : vector<256x32xf32> to vector<256xf32>
    %broadcast_in_dim3A_270 = vector.shape_cast %reduce_sum3A_269 : vector<256xf32> to vector<256x1xf32>
    %dot_general3A_271 = arith.constant dense<0.000000e+00> : vector<256x32xf32>
    %dot_general3A_272 = tpu.matmul %convert_element_type3A_146, %mul3A_261, %dot_general3A_271 {dimension_numbers = #tpu.dot_dimension_numbers<[1], [0], [0], [1], [0, 0, 1, 1], [], []>, transpose_lhs_hint = false} : vector<256x256xf32>, vector<256x32xf32>, vector<256x32xf32> -> vector<256x32xf32>
    %get3A_273 = arith.constant 0 : index
    %get3A_274 = arith.constant 0 : index
    %get3A_275 = vector.load %arg27[%get3A_273, %get3A_274] : memref<1x32xf32, #tpu.memory_space<vmem>>, vector<1x32xf32>
    %add3A_276 = vector.broadcast %get3A_275 : vector<1x32xf32> to vector<256x32xf32>
    %add3A_277 = arith.addf %add3A_276, %dot_general3A_272 : vector<256x32xf32>
    %mul3A_278 = arith.mulf %mul3A_261, %add3A_277 : vector<256x32xf32>
    %reduce_sum3A_279 = arith.constant dense<0.000000e+00> : vector<256xf32>
    %reduce_sum3A_280 = vector.multi_reduction <add>, %mul3A_278, %reduce_sum3A_279 [1] : vector<256x32xf32> to vector<256xf32>
    %broadcast_in_dim3A_281 = vector.shape_cast %reduce_sum3A_280 : vector<256xf32> to vector<256x1xf32>
    %reduce_sum3A_282 = arith.constant dense<0.000000e+00> : vector<32xf32>
    %reduce_sum3A_283 = vector.multi_reduction <add>, %mul3A_261, %reduce_sum3A_282 [0] : vector<256x32xf32> to vector<32xf32>
    %broadcast_in_dim3A_284 = vector.shape_cast %reduce_sum3A_283 : vector<32xf32> to vector<1x32xf32>
    %add3A_285 = arith.addf %get3A_275, %broadcast_in_dim3A_284 : vector<1x32xf32>
    %swap3A_286 = arith.constant 0 : index
    %swap3A_287 = arith.constant 0 : index
    %swap3A_288 = vector.load %arg27[%swap3A_286, %swap3A_287] : memref<1x32xf32, #tpu.memory_space<vmem>>, vector<1x32xf32>
    tpu.vector_store %arg27[%swap3A_286, %swap3A_287], %add3A_285 {strides = array<i32>} : memref<1x32xf32, #tpu.memory_space<vmem>>, vector<1x32xf32>,
    %add3A_289 = arith.addf %add3A_241, %mul3A_261 : vector<256x32xf32>
    %add3A_290 = arith.constant 1.000000e+00 : f32
    %add3A_291 = vector.broadcast %add3A_290 : f32 to vector<256x32xf32>
    %add3A_292 = arith.addf %sub3A_246, %add3A_291 : vector<256x32xf32>
    %mul3A_293 = arith.mulf %mul3A_261, %add3A_292 : vector<256x32xf32>
    %sub3A_294 = arith.subf %sub3A_246, %mul3A_293 : vector<256x32xf32>
    %reduce_max3A_295 = arith.constant dense<0xFF800000> : vector<256xf32>
    %reduce_max3A_296 = vector.multi_reduction <maximumf>, %sub3A_294, %reduce_max3A_295 [1] : vector<256x32xf32> to vector<256xf32>
    %broadcast_in_dim3A_297 = vector.shape_cast %reduce_max3A_296 : vector<256xf32> to vector<256x1xf32>
    %eq3A_298 = vector.broadcast %broadcast_in_dim3A_297 : vector<256x1xf32> to vector<256x32xf32>
    %eq3A_299 = arith.cmpf oeq, %sub3A_294, %eq3A_298 : vector<256x32xf32>
    %convert_element_type3A_300 = arith.extui %eq3A_299 : vector<256x32xi1> to vector<256x32xi32>
    %convert_element_type3A_301 = arith.sitofp %convert_element_type3A_300 : vector<256x32xi32> to vector<256x32xf32>
    %dot_general3A_302 = arith.constant dense<0.000000e+00> : vector<256x32xf32>
    %dot_general3A_303 = tpu.matmul %convert_element_type3A_301, %convert_element_type3A_142, %dot_general3A_302 {dimension_numbers = #tpu.dot_dimension_numbers<[1], [0], [0], [1], [0, 0, 1, 1], [], []>, transpose_lhs_hint = false} : vector<256x32xf32>, vector<32x32xf32>, vector<256x32xf32> -> vector<256x32xf32>
    %eq3A_304 = arith.constant 1.000000e+00 : f32
    %eq3A_305 = vector.broadcast %eq3A_304 : f32 to vector<256x32xf32>
    %eq3A_306 = arith.cmpf oeq, %dot_general3A_303, %eq3A_305 : vector<256x32xf32>
    %convert_element_type3A_307 = arith.extui %eq3A_306 : vector<256x32xi1> to vector<256x32xi32>
    %convert_element_type3A_308 = arith.sitofp %convert_element_type3A_307 : vector<256x32xi32> to vector<256x32xf32>
    %mul3A_309 = arith.mulf %convert_element_type3A_301, %convert_element_type3A_308 : vector<256x32xf32>
    %mul3A_310 = vector.broadcast %convert_element_type3A_148 : vector<1x32xf32> to vector<256x32xf32>
    %mul3A_311 = arith.mulf %mul3A_309, %mul3A_310 : vector<256x32xf32>
    %reduce_sum3A_312 = arith.constant dense<0.000000e+00> : vector<256xf32>
    %reduce_sum3A_313 = vector.multi_reduction <add>, %mul3A_311, %reduce_sum3A_312 [1] : vector<256x32xf32> to vector<256xf32>
    %broadcast_in_dim3A_314 = vector.shape_cast %reduce_sum3A_313 : vector<256xf32> to vector<256x1xf32>
    %mul3A_315 = arith.mulf %mul3A_309, %div3A_136 : vector<256x32xf32>
    %reduce_sum3A_316 = arith.constant dense<0.000000e+00> : vector<256xf32>
    %reduce_sum3A_317 = vector.multi_reduction <add>, %mul3A_315, %reduce_sum3A_316 [1] : vector<256x32xf32> to vector<256xf32>
    %broadcast_in_dim3A_318 = vector.shape_cast %reduce_sum3A_317 : vector<256xf32> to vector<256x1xf32>
    %dot_general3A_319 = arith.constant dense<0.000000e+00> : vector<256x32xf32>
    %dot_general3A_320 = tpu.matmul %convert_element_type3A_146, %mul3A_309, %dot_general3A_319 {dimension_numbers = #tpu.dot_dimension_numbers<[1], [0], [0], [1], [0, 0, 1, 1], [], []>, transpose_lhs_hint = false} : vector<256x256xf32>, vector<256x32xf32>, vector<256x32xf32> -> vector<256x32xf32>
    %get3A_321 = arith.constant 0 : index
    %get3A_322 = arith.constant 0 : index
    %get3A_323 = vector.load %arg27[%get3A_321, %get3A_322] : memref<1x32xf32, #tpu.memory_space<vmem>>, vector<1x32xf32>
    %add3A_324 = vector.broadcast %get3A_323 : vector<1x32xf32> to vector<256x32xf32>
    %add3A_325 = arith.addf %add3A_324, %dot_general3A_320 : vector<256x32xf32>
    %mul3A_326 = arith.mulf %mul3A_309, %add3A_325 : vector<256x32xf32>
    %reduce_sum3A_327 = arith.constant dense<0.000000e+00> : vector<256xf32>
    %reduce_sum3A_328 = vector.multi_reduction <add>, %mul3A_326, %reduce_sum3A_327 [1] : vector<256x32xf32> to vector<256xf32>
    %broadcast_in_dim3A_329 = vector.shape_cast %reduce_sum3A_328 : vector<256xf32> to vector<256x1xf32>
    %reduce_sum3A_330 = arith.constant dense<0.000000e+00> : vector<32xf32>
    %reduce_sum3A_331 = vector.multi_reduction <add>, %mul3A_309, %reduce_sum3A_330 [0] : vector<256x32xf32> to vector<32xf32>
    %broadcast_in_dim3A_332 = vector.shape_cast %reduce_sum3A_331 : vector<32xf32> to vector<1x32xf32>
    %add3A_333 = arith.addf %get3A_323, %broadcast_in_dim3A_332 : vector<1x32xf32>
    %swap3A_334 = arith.constant 0 : index
    %swap3A_335 = arith.constant 0 : index
    %swap3A_336 = vector.load %arg27[%swap3A_334, %swap3A_335] : memref<1x32xf32, #tpu.memory_space<vmem>>, vector<1x32xf32>
    tpu.vector_store %arg27[%swap3A_334, %swap3A_335], %add3A_333 {strides = array<i32>} : memref<1x32xf32, #tpu.memory_space<vmem>>, vector<1x32xf32>,
    %add3A_337 = arith.addf %add3A_289, %mul3A_309 : vector<256x32xf32>
    %concatenate3A = tpu.concatenate %broadcast_in_dim3A_174, %broadcast_in_dim3A_222, %broadcast_in_dim3A_270, %broadcast_in_dim3A_318 in 1 : vector<256x1xf32>, vector<256x1xf32>, vector<256x1xf32>, vector<256x1xf32> -> vector<256x4xf32>
    %reduce_sum3A_338 = arith.constant dense<0.000000e+00> : vector<256xf32>
    %reduce_sum3A_339 = vector.multi_reduction <add>, %concatenate3A, %reduce_sum3A_338 [1] : vector<256x4xf32> to vector<256xf32>
    %broadcast_in_dim3A_340 = vector.shape_cast %reduce_sum3A_339 : vector<256xf32> to vector<256x1xf32>
    %div3A_341 = vector.broadcast %broadcast_in_dim3A_340 : vector<256x1xf32> to vector<256x4xf32>
    %div3A_342 = arith.divf %concatenate3A, %div3A_341 : vector<256x4xf32>
    %swap3A_343 = arith.constant 0 : index
    %swap3A_344 = arith.constant 0 : index
    %swap3A_345 = vector.load %arg22[%swap3A_343, %swap3A_344] : memref<256x4xf32, #tpu.memory_space<vmem>>, vector<256x4xf32>
    tpu.vector_store %arg22[%swap3A_343, %swap3A_344], %div3A_342 {strides = array<i32>} : memref<256x4xf32, #tpu.memory_space<vmem>>, vector<256x4xf32>,
    %concatenate3A_346 = tpu.concatenate %broadcast_in_dim3A_170, %broadcast_in_dim3A_218, %broadcast_in_dim3A_266, %broadcast_in_dim3A_314 in 1 : vector<256x1xf32>, vector<256x1xf32>, vector<256x1xf32>, vector<256x1xf32> -> vector<256x4xf32>
    %mul3A_347 = arith.constant 256 : i32
    %mul3A_348 = arith.muli %arg0, %mul3A_347 : i32
    %swap3A_349 = arith.index_cast %mul3A_348 : i32 to index
    %swap3A_350 = arith.constant 0 : index
    %swap3A_351 = vector.load %arg28[%swap3A_349, %swap3A_350] : memref<1024x4xf32, #tpu.memory_space<vmem>>, vector<256x4xf32>
    tpu.vector_store %arg28[%swap3A_349, %swap3A_350], %concatenate3A_346 {strides = array<i32>} : memref<1024x4xf32, #tpu.memory_space<vmem>>, vector<256x4xf32>,
    %concatenate3A_352 = tpu.concatenate %broadcast_in_dim3A_185, %broadcast_in_dim3A_233, %broadcast_in_dim3A_281, %broadcast_in_dim3A_329 in 1 : vector<256x1xf32>, vector<256x1xf32>, vector<256x1xf32>, vector<256x1xf32> -> vector<256x4xf32>
    %mul3A_353 = arith.constant 256 : i32
    %mul3A_354 = arith.muli %arg0, %mul3A_353 : i32
    %swap3A_355 = arith.index_cast %mul3A_354 : i32 to index
    %swap3A_356 = arith.constant 0 : index
    %swap3A_357 = vector.load %arg29[%swap3A_355, %swap3A_356] : memref<1024x4xf32, #tpu.memory_space<vmem>>, vector<256x4xf32>
    tpu.vector_store %arg29[%swap3A_355, %swap3A_356], %concatenate3A_352 {strides = array<i32>} : memref<1024x4xf32, #tpu.memory_space<vmem>>, vector<256x4xf32>,
    %reduce_sum3A_358 = arith.constant dense<0.000000e+00> : vector<32xf32>
    %reduce_sum3A_359 = vector.multi_reduction <add>, %add3A_337, %reduce_sum3A_358 [0] : vector<256x32xf32> to vector<32xf32>
    %broadcast_in_dim3A_360 = vector.shape_cast %reduce_sum3A_359 : vector<32xf32> to vector<1x32xf32>
    %reduce_sum3A_361 = arith.constant dense<0.000000e+00> : vector<32xf32>
    %reduce_sum3A_362 = vector.multi_reduction <add>, %div3A_136, %reduce_sum3A_361 [0] : vector<256x32xf32> to vector<32xf32>
    %broadcast_in_dim3A_363 = vector.shape_cast %reduce_sum3A_362 : vector<32xf32> to vector<1x32xf32>
    %broadcast_in_dim3A_364 = arith.constant 0.000000e+00 : f32
    %broadcast_in_dim3A_365 = vector.broadcast %broadcast_in_dim3A_364 : f32 to vector<6x32xf32>
    %concatenate3A_366 = tpu.concatenate %broadcast_in_dim3A_360, %broadcast_in_dim3A_363, %broadcast_in_dim3A_365 in 0 : vector<1x32xf32>, vector<1x32xf32>, vector<6x32xf32> -> vector<8x32xf32>
    %get3A_367 = arith.constant 0 : index
    %get3A_368 = arith.constant 0 : index
    %get3A_369 = vector.load %arg26[%get3A_367, %get3A_368] : memref<8x32xf32, #tpu.memory_space<vmem>>, vector<8x32xf32>
    %add3A_370 = arith.addf %get3A_369, %concatenate3A_366 : vector<8x32xf32>
    %swap3A_371 = arith.constant 0 : index
    %swap3A_372 = arith.constant 0 : index
    %swap3A_373 = vector.load %arg26[%swap3A_371, %swap3A_372] : memref<8x32xf32, #tpu.memory_space<vmem>>, vector<8x32xf32>
    tpu.vector_store %arg26[%swap3A_371, %swap3A_372], %add3A_370 {strides = array<i32>} : memref<8x32xf32, #tpu.memory_space<vmem>>, vector<8x32xf32>,
    %get3A_374 = arith.constant 0 : index
    %get3A_375 = arith.constant 0 : index
    %get3A_376 = vector.load %arg26[%get3A_374, %get3A_375] : memref<8x32xf32, #tpu.memory_space<vmem>>, vector<1x32xf32>
    %get3A_377 = vector.shape_cast %get3A_376 : vector<1x32xf32> to vector<32xf32>
    %get3A_378 = arith.constant 1 : index
    %get3A_379 = arith.constant 0 : index
    %get3A_380 = vector.load %arg26[%get3A_378, %get3A_379] : memref<8x32xf32, #tpu.memory_space<vmem>>, vector<1x32xf32>
    %get3A_381 = vector.shape_cast %get3A_380 : vector<1x32xf32> to vector<32xf32>
    %mul3A_382 = arith.mulf %get3A_377, %get3A_381 : vector<32xf32>
    %reduce_sum3A_383 = vector.shape_cast %mul3A_382 : vector<32xf32> to vector<1x32xf32>
    %reduce_sum3A_384 = arith.constant dense<0.000000e+00> : vector<1xf32>
    %reduce_sum3A_385 = vector.multi_reduction <add>, %reduce_sum3A_383, %reduce_sum3A_384 [1] : vector<1x32xf32> to vector<1xf32>
    %reduce_sum3A_386 = vector.shape_cast %reduce_sum3A_385 : vector<1xf32> to vector<1x1xf32>
    %reduce_sum3A_387 = vector.extract %reduce_sum3A_386[0, 0] : f32 from vector<1x1xf32>
    %mul3A_388 = arith.constant 7.62939453E-6 : f32
    %mul3A_389 = arith.mulf %mul3A_388, %reduce_sum3A_387 : f32
    %broadcast_in_dim3A_390 = vector.broadcast %mul3A_389 : f32 to vector<8x128xf32>
    %swap3A_391 = arith.constant 0 : index
    %swap3A_392 = arith.constant 0 : index
    %swap3A_393 = vector.load %arg25[%swap3A_391, %swap3A_392] : memref<8x128xf32, #tpu.memory_space<vmem>>, vector<8x128xf32>
    tpu.vector_store %arg25[%swap3A_391, %swap3A_392], %broadcast_in_dim3A_390 {strides = array<i32>} : memref<8x128xf32, #tpu.memory_space<vmem>>, vector<8x128xf32>,
    %eq3A_394 = arith.constant 3 : i32
    %eq3A_395 = arith.cmpi eq, %arg0, %eq3A_394 : i32
    %convert_element_type3A_396 = arith.extui %eq3A_395 : i1 to i32
    %cond3A_397 = arith.constant 0 : i32
    %cond3A_398 = arith.cmpi ne, %convert_element_type3A_396, %cond3A_397 : i32
    scf.if %cond3A_398 {
      %get3A_399 = arith.constant 0 : index
      %get3A_400 = arith.constant 0 : index
      %get3A_401 = vector.load %arg26[%get3A_399, %get3A_400] : memref<8x32xf32, #tpu.memory_space<vmem>>, vector<1x32xf32>
      %div3A_402 = arith.constant 1.280000e+02 : f32
      %div3A_403 = vector.broadcast %div3A_402 : f32 to vector<1x32xf32>
      %div3A_404 = arith.divf %get3A_401, %div3A_403 : vector<1x32xf32>
      %ceil3A = math.ceil %div3A_404 : vector<1x32xf32>
      %mul3A_405 = arith.constant 1.280000e+02 : f32
      %mul3A_406 = vector.broadcast %mul3A_405 : f32 to vector<1x32xf32>
      %mul3A_407 = arith.mulf %ceil3A, %mul3A_406 : vector<1x32xf32>
      %iota3A_408 = tpu.iota {dimensions = array<i32: 0>} : vector<32x32xi32>
      %iota3A_409 = tpu.iota {dimensions = array<i32: 1>} : vector<32x32xi32>
      %lt3A = arith.cmpi slt, %iota3A_408, %iota3A_409 : vector<32x32xi32>
      %convert_element_type3A_410 = arith.extui %lt3A : vector<32x32xi1> to vector<32x32xi32>
      %convert_element_type3A_411 = arith.sitofp %convert_element_type3A_410 : vector<32x32xi32> to vector<32x32xf32>
      %dot_general3A_412 = arith.constant dense<0.000000e+00> : vector<1x32xf32>
      %dot_general3A_413 = tpu.matmul %mul3A_407, %convert_element_type3A_411, %dot_general3A_412 {dimension_numbers = #tpu.dot_dimension_numbers<[1], [0], [0], [1], [0, 0, 1, 1], [], []>, transpose_lhs_hint = false} : vector<1x32xf32>, vector<32x32xf32>, vector<1x32xf32> -> vector<1x32xf32>
      %iota3A_414 = tpu.iota {dimensions = array<i32: 1>} : vector<1x32xi32>
      %convert_element_type3A_415 = arith.sitofp %iota3A_414 : vector<1x32xi32> to vector<1x32xf32>
      %get3A_416 = arith.constant 0 : index
      %get3A_417 = arith.constant 0 : index
      %get3A_418 = vector.load %arg28[%get3A_416, %get3A_417] : memref<1024x4xf32, #tpu.memory_space<vmem>>, vector<1024x1xf32>
      %eq3A_419 = vector.broadcast %get3A_418 : vector<1024x1xf32> to vector<1024x32xf32>
      %eq3A_420 = vector.broadcast %convert_element_type3A_415 : vector<1x32xf32> to vector<1024x32xf32>
      %eq3A_421 = arith.cmpf oeq, %eq3A_419, %eq3A_420 : vector<1024x32xf32>
      %convert_element_type3A_422 = arith.extui %eq3A_421 : vector<1024x32xi1> to vector<1024x32xi32>
      %convert_element_type3A_423 = arith.sitofp %convert_element_type3A_422 : vector<1024x32xi32> to vector<1024x32xf32>
      %mul3A_424 = vector.broadcast %dot_general3A_413 : vector<1x32xf32> to vector<1024x32xf32>
      %mul3A_425 = arith.mulf %convert_element_type3A_423, %mul3A_424 : vector<1024x32xf32>
      %reduce_sum3A_426 = arith.constant dense<0.000000e+00> : vector<1024xf32>
      %reduce_sum3A_427 = vector.multi_reduction <add>, %mul3A_425, %reduce_sum3A_426 [1] : vector<1024x32xf32> to vector<1024xf32>
      %broadcast_in_dim3A_428 = vector.shape_cast %reduce_sum3A_427 : vector<1024xf32> to vector<1024x1xf32>
      %get3A_429 = arith.constant 0 : index
      %get3A_430 = arith.constant 0 : index
      %get3A_431 = vector.load %arg29[%get3A_429, %get3A_430] : memref<1024x4xf32, #tpu.memory_space<vmem>>, vector<1024x1xf32>
      %add3A_432 = arith.addf %broadcast_in_dim3A_428, %get3A_431 : vector<1024x1xf32>
      %get3A_433 = arith.constant 0 : index
      %get3A_434 = arith.constant 1 : index
      %get3A_435 = vector.load %arg28[%get3A_433, %get3A_434] : memref<1024x4xf32, #tpu.memory_space<vmem>>, vector<1024x1xf32>
      %eq3A_436 = vector.broadcast %get3A_435 : vector<1024x1xf32> to vector<1024x32xf32>
      %eq3A_437 = vector.broadcast %convert_element_type3A_415 : vector<1x32xf32> to vector<1024x32xf32>
      %eq3A_438 = arith.cmpf oeq, %eq3A_436, %eq3A_437 : vector<1024x32xf32>
      %convert_element_type3A_439 = arith.extui %eq3A_438 : vector<1024x32xi1> to vector<1024x32xi32>
      %convert_element_type3A_440 = arith.sitofp %convert_element_type3A_439 : vector<1024x32xi32> to vector<1024x32xf32>
      %mul3A_441 = vector.broadcast %dot_general3A_413 : vector<1x32xf32> to vector<1024x32xf32>
      %mul3A_442 = arith.mulf %convert_element_type3A_440, %mul3A_441 : vector<1024x32xf32>
      %reduce_sum3A_443 = arith.constant dense<0.000000e+00> : vector<1024xf32>
      %reduce_sum3A_444 = vector.multi_reduction <add>, %mul3A_442, %reduce_sum3A_443 [1] : vector<1024x32xf32> to vector<1024xf32>
      %broadcast_in_dim3A_445 = vector.shape_cast %reduce_sum3A_444 : vector<1024xf32> to vector<1024x1xf32>
      %get3A_446 = arith.constant 0 : index
      %get3A_447 = arith.constant 1 : index
      %get3A_448 = vector.load %arg29[%get3A_446, %get3A_447] : memref<1024x4xf32, #tpu.memory_space<vmem>>, vector<1024x1xf32>
      %add3A_449 = arith.addf %broadcast_in_dim3A_445, %get3A_448 : vector<1024x1xf32>
      %get3A_450 = arith.constant 0 : index
      %get3A_451 = arith.constant 2 : index
      %get3A_452 = vector.load %arg28[%get3A_450, %get3A_451] : memref<1024x4xf32, #tpu.memory_space<vmem>>, vector<1024x1xf32>
      %eq3A_453 = vector.broadcast %get3A_452 : vector<1024x1xf32> to vector<1024x32xf32>
      %eq3A_454 = vector.broadcast %convert_element_type3A_415 : vector<1x32xf32> to vector<1024x32xf32>
      %eq3A_455 = arith.cmpf oeq, %eq3A_453, %eq3A_454 : vector<1024x32xf32>
      %convert_element_type3A_456 = arith.extui %eq3A_455 : vector<1024x32xi1> to vector<1024x32xi32>
      %convert_element_type3A_457 = arith.sitofp %convert_element_type3A_456 : vector<1024x32xi32> to vector<1024x32xf32>
      %mul3A_458 = vector.broadcast %dot_general3A_413 : vector<1x32xf32> to vector<1024x32xf32>
      %mul3A_459 = arith.mulf %convert_element_type3A_457, %mul3A_458 : vector<1024x32xf32>
      %reduce_sum3A_460 = arith.constant dense<0.000000e+00> : vector<1024xf32>
      %reduce_sum3A_461 = vector.multi_reduction <add>, %mul3A_459, %reduce_sum3A_460 [1] : vector<1024x32xf32> to vector<1024xf32>
      %broadcast_in_dim3A_462 = vector.shape_cast %reduce_sum3A_461 : vector<1024xf32> to vector<1024x1xf32>
      %get3A_463 = arith.constant 0 : index
      %get3A_464 = arith.constant 2 : index
      %get3A_465 = vector.load %arg29[%get3A_463, %get3A_464] : memref<1024x4xf32, #tpu.memory_space<vmem>>, vector<1024x1xf32>
      %add3A_466 = arith.addf %broadcast_in_dim3A_462, %get3A_465 : vector<1024x1xf32>
      %get3A_467 = arith.constant 0 : index
      %get3A_468 = arith.constant 3 : index
      %get3A_469 = vector.load %arg28[%get3A_467, %get3A_468] : memref<1024x4xf32, #tpu.memory_space<vmem>>, vector<1024x1xf32>
      %eq3A_470 = vector.broadcast %get3A_469 : vector<1024x1xf32> to vector<1024x32xf32>
      %eq3A_471 = vector.broadcast %convert_element_type3A_415 : vector<1x32xf32> to vector<1024x32xf32>
      %eq3A_472 = arith.cmpf oeq, %eq3A_470, %eq3A_471 : vector<1024x32xf32>
      %convert_element_type3A_473 = arith.extui %eq3A_472 : vector<1024x32xi1> to vector<1024x32xi32>
      %convert_element_type3A_474 = arith.sitofp %convert_element_type3A_473 : vector<1024x32xi32> to vector<1024x32xf32>
      %mul3A_475 = vector.broadcast %dot_general3A_413 : vector<1x32xf32> to vector<1024x32xf32>
      %mul3A_476 = arith.mulf %convert_element_type3A_474, %mul3A_475 : vector<1024x32xf32>
      %reduce_sum3A_477 = arith.constant dense<0.000000e+00> : vector<1024xf32>
      %reduce_sum3A_478 = vector.multi_reduction <add>, %mul3A_476, %reduce_sum3A_477 [1] : vector<1024x32xf32> to vector<1024xf32>
      %broadcast_in_dim3A_479 = vector.shape_cast %reduce_sum3A_478 : vector<1024xf32> to vector<1024x1xf32>
      %get3A_480 = arith.constant 0 : index
      %get3A_481 = arith.constant 3 : index
      %get3A_482 = vector.load %arg29[%get3A_480, %get3A_481] : memref<1024x4xf32, #tpu.memory_space<vmem>>, vector<1024x1xf32>
      %add3A_483 = arith.addf %broadcast_in_dim3A_479, %get3A_482 : vector<1024x1xf32>
      %concatenate3A_484 = tpu.concatenate %add3A_432, %add3A_449, %add3A_466, %add3A_483 in 1 : vector<1024x1xf32>, vector<1024x1xf32>, vector<1024x1xf32>, vector<1024x1xf32> -> vector<1024x4xf32>
      %convert_element_type3A_485 = arith.fptosi %concatenate3A_484 : vector<1024x4xf32> to vector<1024x4xi32>
      %swap3A_486 = arith.constant 0 : index
      %swap3A_487 = arith.constant 0 : index
      %swap3A_488 = vector.load %arg23[%swap3A_486, %swap3A_487] : memref<1024x4xi32, #tpu.memory_space<vmem>>, vector<1024x4xi32>
      tpu.vector_store %arg23[%swap3A_486, %swap3A_487], %convert_element_type3A_485 {strides = array<i32>} : memref<1024x4xi32, #tpu.memory_space<vmem>>, vector<1024x4xi32>,
      %div3A_489 = arith.constant 1.280000e+02 : f32
      %div3A_490 = vector.broadcast %div3A_489 : f32 to vector<1x32xf32>
      %div3A_491 = arith.divf %dot_general3A_413, %div3A_490 : vector<1x32xf32>
      %iota3A_492 = tpu.iota {dimensions = array<i32: 0>} : vector<64x1xi32>
      %convert_element_type3A_493 = arith.sitofp %iota3A_492 : vector<64x1xi32> to vector<64x1xf32>
      %le3A_494 = vector.broadcast %div3A_491 : vector<1x32xf32> to vector<64x32xf32>
      %le3A_495 = vector.broadcast %convert_element_type3A_493 : vector<64x1xf32> to vector<64x32xf32>
      %le3A_496 = arith.cmpf ole, %le3A_494, %le3A_495 : vector<64x32xf32>
      %convert_element_type3A_497 = arith.extui %le3A_496 : vector<64x32xi1> to vector<64x32xi32>
      %convert_element_type3A_498 = arith.sitofp %convert_element_type3A_497 : vector<64x32xi32> to vector<64x32xf32>
      %reduce_sum3A_499 = arith.constant dense<0.000000e+00> : vector<64xf32>
      %reduce_sum3A_500 = vector.multi_reduction <add>, %convert_element_type3A_498, %reduce_sum3A_499 [1] : vector<64x32xf32> to vector<64xf32>
      %broadcast_in_dim3A_501 = vector.shape_cast %reduce_sum3A_500 : vector<64xf32> to vector<64x1xf32>
      %sub3A_502 = arith.constant 1.000000e+00 : f32
      %sub3A_503 = vector.broadcast %sub3A_502 : f32 to vector<64x1xf32>
      %sub3A_504 = arith.subf %broadcast_in_dim3A_501, %sub3A_503 : vector<64x1xf32>
      %reshape3A = vector.shape_cast %sub3A_504 : vector<64x1xf32> to vector<1x64xf32>
      %broadcast_in_dim3A_505 = vector.shape_cast %reshape3A : vector<1x64xf32> to vector<1x64xf32>
      %broadcast_in_dim3A_506 = vector.broadcast %broadcast_in_dim3A_505 : vector<1x64xf32> to vector<8x64xf32>
      %reduce_sum3A_507 = vector.shape_cast %mul3A_407 : vector<1x32xf32> to vector<1x1x32xf32>
      %reduce_sum3A_508 = arith.constant dense<0.000000e+00> : vector<1xf32>
      %reduce_sum3A_509 = vector.multi_reduction <add>, %reduce_sum3A_507, %reduce_sum3A_508 [1, 2] : vector<1x1x32xf32> to vector<1xf32>
      %reduce_sum3A_510 = vector.shape_cast %reduce_sum3A_509 : vector<1xf32> to vector<1x1x1xf32>
      %reduce_sum3A_511 = vector.extract %reduce_sum3A_510[0, 0, 0] : f32 from vector<1x1x1xf32>
      %div3A_512 = arith.constant 1.280000e+02 : f32
      %div3A_513 = arith.divf %reduce_sum3A_511, %div3A_512 : f32
      %iota3A_514 = tpu.iota {dimensions = array<i32: 0>} : vector<8x64xi32>
      %eq3A_515 = arith.constant 1 : i32
      %eq3A_516 = vector.broadcast %eq3A_515 : i32 to vector<8x64xi32>
      %eq3A_517 = arith.cmpi eq, %iota3A_514, %eq3A_516 : vector<8x64xi32>
      %broadcast_in_dim3A_518 = vector.broadcast %div3A_513 : f32 to vector<8x64xf32>
      %select_n3A = arith.select %eq3A_517, %broadcast_in_dim3A_518, %broadcast_in_dim3A_506 : vector<8x64xi1>, vector<8x64xf32>
      %convert_element_type3A_519 = arith.fptosi %select_n3A : vector<8x64xf32> to vector<8x64xi32>
      %swap3A_520 = arith.constant 0 : index
      %swap3A_521 = arith.constant 0 : index
      %swap3A_522 = vector.load %arg24[%swap3A_520, %swap3A_521] : memref<8x64xi32, #tpu.memory_space<vmem>>, vector<8x64xi32>
      tpu.vector_store %arg24[%swap3A_520, %swap3A_521], %convert_element_type3A_519 {strides = array<i32>} : memref<8x64xi32, #tpu.memory_space<vmem>>, vector<8x64xi32>,
    } else {
    }
    return
  }
  func.func @transform_0(%arg0: i32) -> (i32, i32) {
    %c0_i32 = arith.constant 0 : i32
    %c0_i32_0 = arith.constant 0 : i32
    return %arg0, %c0_i32 : i32, i32
  }
  func.func @transform_1(%arg0: i32) -> (i32, i32) {
    %c0_i32 = arith.constant 0 : i32
    %c0_i32_0 = arith.constant 0 : i32
    return %arg0, %c0_i32 : i32, i32
  }
  func.func @transform_2(%arg0: i32) -> (i32, i32) {
    %c0_i32 = arith.constant 0 : i32
    %c0_i32_0 = arith.constant 0 : i32
    %c0_i32_1 = arith.constant 0 : i32
    return %c0_i32, %c0_i32_0 : i32, i32
  }
  func.func @transform_3(%arg0: i32) -> (i32, i32) {
    %c0_i32 = arith.constant 0 : i32
    %c0_i32_0 = arith.constant 0 : i32
    %c0_i32_1 = arith.constant 0 : i32
    return %c0_i32, %c0_i32_0 : i32, i32
  }
  func.func @transform_4(%arg0: i32) -> (i32, i32) {
    %c0_i32 = arith.constant 0 : i32
    %c0_i32_0 = arith.constant 0 : i32
    %c0_i32_1 = arith.constant 0 : i32
    return %c0_i32, %c0_i32_0 : i32, i32
  }
  func.func @transform_5(%arg0: i32) -> (i32, i32) {
    %c0_i32 = arith.constant 0 : i32
    %c0_i32_0 = arith.constant 0 : i32
    %c0_i32_1 = arith.constant 0 : i32
    return %c0_i32, %c0_i32_0 : i32, i32
  }
  func.func @transform_6(%arg0: i32) -> (i32, i32) {
    %c0_i32 = arith.constant 0 : i32
    %c0_i32_0 = arith.constant 0 : i32
    %c0_i32_1 = arith.constant 0 : i32
    return %c0_i32, %c0_i32_0 : i32, i32
  }
  func.func @transform_7(%arg0: i32) -> (i32, i32) {
    %c0_i32 = arith.constant 0 : i32
    %c0_i32_0 = arith.constant 0 : i32
    %c0_i32_1 = arith.constant 0 : i32
    return %c0_i32, %c0_i32_0 : i32, i32
  }
  func.func @transform_8(%arg0: i32) -> (i32, i32) {
    %c0_i32 = arith.constant 0 : i32
    %c0_i32_0 = arith.constant 0 : i32
    %c0_i32_1 = arith.constant 0 : i32
    return %c0_i32, %c0_i32_0 : i32, i32
  }
  func.func @transform_9(%arg0: i32) -> (i32, i32) {
    %c0_i32 = arith.constant 0 : i32
    %c0_i32_0 = arith.constant 0 : i32
    %c0_i32_1 = arith.constant 0 : i32
    return %c0_i32, %c0_i32_0 : i32, i32
  }
  func.func @transform_10(%arg0: i32) -> (i32, i32) {
    %c0_i32 = arith.constant 0 : i32
    %c0_i32_0 = arith.constant 0 : i32
    %c0_i32_1 = arith.constant 0 : i32
    return %c0_i32, %c0_i32_0 : i32, i32
  }
  func.func @transform_11(%arg0: i32) -> (i32, i32) {
    %c0_i32 = arith.constant 0 : i32
    %c0_i32_0 = arith.constant 0 : i32
    %c0_i32_1 = arith.constant 0 : i32
    return %c0_i32, %c0_i32_0 : i32, i32
  }
  func.func @transform_12(%arg0: i32) -> (i32, i32) {
    %c0_i32 = arith.constant 0 : i32
    %c0_i32_0 = arith.constant 0 : i32
    %c0_i32_1 = arith.constant 0 : i32
    return %c0_i32, %c0_i32_0 : i32, i32
  }
  func.func @transform_13(%arg0: i32) -> (i32, i32) {
    %c0_i32 = arith.constant 0 : i32
    %c0_i32_0 = arith.constant 0 : i32
    %c0_i32_1 = arith.constant 0 : i32
    return %c0_i32, %c0_i32_0 : i32, i32
  }
  func.func @transform_14(%arg0: i32) -> (i32, i32) {
    %c0_i32 = arith.constant 0 : i32
    %c0_i32_0 = arith.constant 0 : i32
    %c0_i32_1 = arith.constant 0 : i32
    return %c0_i32, %c0_i32_0 : i32, i32
  }
  func.func @transform_15(%arg0: i32) -> (i32, i32) {
    %c0_i32 = arith.constant 0 : i32
    %c0_i32_0 = arith.constant 0 : i32
    %c0_i32_1 = arith.constant 0 : i32
    return %c0_i32, %c0_i32_0 : i32, i32
  }
  func.func @transform_16(%arg0: i32) -> (i32, i32) {
    %c0_i32 = arith.constant 0 : i32
    %c0_i32_0 = arith.constant 0 : i32
    %c0_i32_1 = arith.constant 0 : i32
    return %c0_i32, %c0_i32_0 : i32, i32
  }
  func.func @transform_17(%arg0: i32) -> (i32, i32) {
    %c0_i32 = arith.constant 0 : i32
    %c0_i32_0 = arith.constant 0 : i32
    %c0_i32_1 = arith.constant 0 : i32
    return %c0_i32, %c0_i32_0 : i32, i32
  }
  func.func @transform_18(%arg0: i32) -> (i32, i32) {
    %c0_i32 = arith.constant 0 : i32
    %c0_i32_0 = arith.constant 0 : i32
    %c0_i32_1 = arith.constant 0 : i32
    return %c0_i32, %c0_i32_0 : i32, i32
  }
  func.func @transform_19(%arg0: i32) -> (i32, i32) {
    %c0_i32 = arith.constant 0 : i32
    %c0_i32_0 = arith.constant 0 : i32
    %c0_i32_1 = arith.constant 0 : i32
    return %c0_i32, %c0_i32_0 : i32, i32
  }
  func.func @transform_20(%arg0: i32) -> (i32, i32) {
    %c0_i32 = arith.constant 0 : i32
    %c0_i32_0 = arith.constant 0 : i32
    return %arg0, %c0_i32 : i32, i32
  }
  func.func @transform_21(%arg0: i32) -> (i32, i32) {
    %c0_i32 = arith.constant 0 : i32
    %c0_i32_0 = arith.constant 0 : i32
    return %arg0, %c0_i32 : i32, i32
  }
  func.func @transform_22(%arg0: i32) -> (i32, i32) {
    %c0_i32 = arith.constant 0 : i32
    %c0_i32_0 = arith.constant 0 : i32
    %c0_i32_1 = arith.constant 0 : i32
    return %c0_i32, %c0_i32_0 : i32, i32
  }
  func.func @transform_23(%arg0: i32) -> (i32, i32) {
    %c0_i32 = arith.constant 0 : i32
    %c0_i32_0 = arith.constant 0 : i32
    %c0_i32_1 = arith.constant 0 : i32
    return %c0_i32, %c0_i32_0 : i32, i32
  }
  func.func @transform_24(%arg0: i32) -> (i32, i32) {
    %c0_i32 = arith.constant 0 : i32
    %c0_i32_0 = arith.constant 0 : i32
    %c0_i32_1 = arith.constant 0 : i32
    return %c0_i32, %c0_i32_0 : i32, i32
  }
}

module attributes {stable_mosaic.version = 14 : i64} {
  func.func @_k3_body(%arg0: i32, %arg1: memref<128xi32, #tpu.memory_space<smem>>, %arg2: memref<128x1024xf32, #tpu.memory_space<vmem>>, %arg3: memref<1x1024x256xbf16, #tpu.memory_space<vmem>>, %arg4: memref<1x1x256xf32, #tpu.memory_space<vmem>>, %arg5: memref<1x256x1024xbf16, #tpu.memory_space<vmem>>, %arg6: memref<1x1x1024xf32, #tpu.memory_space<vmem>>, %arg7: memref<128x1024xf32, #tpu.memory_space<vmem>>) attributes {dimension_semantics = [#tpu.dimension_semantics<arbitrary>], iteration_bounds = array<i64: 64>, scalar_prefetch = 1 : i64, scratch_operands = 0 : i64, tpu.core_type = #tpu.core_type<tc>, window_params = [{transform_indices = @transform_0, window_bounds = array<i64: 128, 1024>}, {transform_indices = @transform_1, window_bounds = array<i64: 1, 1024, 256>}, {transform_indices = @transform_2, window_bounds = array<i64: 1, 1, 256>}, {transform_indices = @transform_3, window_bounds = array<i64: 1, 256, 1024>}, {transform_indices = @transform_4, window_bounds = array<i64: 1, 1, 1024>}, {transform_indices = @transform_5, window_bounds = array<i64: 128, 1024>}]} {
    %get3A = arith.constant 64 : index
    %get3A_0 = memref.load %arg1[%get3A] : memref<128xi32, #tpu.memory_space<smem>>
    %lt3A = arith.cmpi slt, %arg0, %get3A_0 : i32
    %convert_element_type3A = arith.extui %lt3A : i1 to i32
    %cond3A = arith.constant 0 : i32
    %cond3A_1 = arith.cmpi ne, %convert_element_type3A, %cond3A : i32
    scf.if %cond3A_1 {
      %get3A_2 = arith.constant 0 : index
      %get3A_3 = arith.constant 0 : index
      %get3A_4 = vector.load %arg2[%get3A_2, %get3A_3] : memref<128x1024xf32, #tpu.memory_space<vmem>>, vector<128x1024xf32>
      %get3A_5 = arith.constant 0 : index
      %get3A_6 = arith.constant 0 : index
      %get3A_7 = arith.constant 0 : index
      %get3A_8 = vector.load %arg3[%get3A_5, %get3A_6, %get3A_7] : memref<1x1024x256xbf16, #tpu.memory_space<vmem>>, vector<1x1024x256xbf16>
      %get3A_9 = vector.shape_cast %get3A_8 : vector<1x1024x256xbf16> to vector<1024x256xbf16>
      %convert_element_type3A_10 = arith.truncf %get3A_4 : vector<128x1024xf32> to vector<128x1024xbf16>
      %dot_general3A = arith.constant dense<0.000000e+00> : vector<128x256xf32>
      %dot_general3A_11 = tpu.matmul %convert_element_type3A_10, %get3A_9, %dot_general3A {dimension_numbers = #tpu.dot_dimension_numbers<[1], [0], [0], [1], [0, 0, 1, 1], [], []>, transpose_lhs_hint = false} : vector<128x1024xbf16>, vector<1024x256xbf16>, vector<128x256xf32> -> vector<128x256xf32>
      %get3A_12 = arith.constant 0 : index
      %get3A_13 = arith.constant 0 : index
      %get3A_14 = arith.constant 0 : index
      %get3A_15 = vector.load %arg4[%get3A_12, %get3A_13, %get3A_14] : memref<1x1x256xf32, #tpu.memory_space<vmem>>, vector<1x1x256xf32>
      %get3A_16 = vector.shape_cast %get3A_15 : vector<1x1x256xf32> to vector<1x256xf32>
      %add3A = vector.broadcast %get3A_16 : vector<1x256xf32> to vector<128x256xf32>
      %add3A_17 = arith.addf %dot_general3A_11, %add3A : vector<128x256xf32>
      %max3A = arith.constant 0.000000e+00 : f32
      %max3A_18 = vector.broadcast %max3A : f32 to vector<128x256xf32>
      %max3A_19 = arith.maximumf %add3A_17, %max3A_18 : vector<128x256xf32>
      %get3A_20 = arith.constant 0 : index
      %get3A_21 = arith.constant 0 : index
      %get3A_22 = arith.constant 0 : index
      %get3A_23 = vector.load %arg5[%get3A_20, %get3A_21, %get3A_22] : memref<1x256x1024xbf16, #tpu.memory_space<vmem>>, vector<1x256x1024xbf16>
      %get3A_24 = vector.shape_cast %get3A_23 : vector<1x256x1024xbf16> to vector<256x1024xbf16>
      %convert_element_type3A_25 = arith.truncf %max3A_19 : vector<128x256xf32> to vector<128x256xbf16>
      %dot_general3A_26 = arith.constant dense<0.000000e+00> : vector<128x1024xf32>
      %dot_general3A_27 = tpu.matmul %convert_element_type3A_25, %get3A_24, %dot_general3A_26 {dimension_numbers = #tpu.dot_dimension_numbers<[1], [0], [0], [1], [0, 0, 1, 1], [], []>, transpose_lhs_hint = false} : vector<128x256xbf16>, vector<256x1024xbf16>, vector<128x1024xf32> -> vector<128x1024xf32>
      %get3A_28 = arith.constant 0 : index
      %get3A_29 = arith.constant 0 : index
      %get3A_30 = arith.constant 0 : index
      %get3A_31 = vector.load %arg6[%get3A_28, %get3A_29, %get3A_30] : memref<1x1x1024xf32, #tpu.memory_space<vmem>>, vector<1x1x1024xf32>
      %get3A_32 = vector.shape_cast %get3A_31 : vector<1x1x1024xf32> to vector<1x1024xf32>
      %add3A_33 = vector.broadcast %get3A_32 : vector<1x1024xf32> to vector<128x1024xf32>
      %add3A_34 = arith.addf %dot_general3A_27, %add3A_33 : vector<128x1024xf32>
      %swap3A = arith.constant 0 : index
      %swap3A_35 = arith.constant 0 : index
      %swap3A_36 = vector.load %arg7[%swap3A, %swap3A_35] : memref<128x1024xf32, #tpu.memory_space<vmem>>, vector<128x1024xf32>
      tpu.vector_store %arg7[%swap3A, %swap3A_35], %add3A_34 {strides = array<i32>} : memref<128x1024xf32, #tpu.memory_space<vmem>>, vector<128x1024xf32>,
    } else {
    }
    return
  }
  func.func @transform_0(%arg0: i32, %arg1: memref<128xi32, #tpu.memory_space<smem>>) -> (i32, i32) {
    %get3A = arith.constant 64 : index
    %get3A_0 = memref.load %arg1[%get3A] : memref<128xi32, #tpu.memory_space<smem>>
    %sub3A = arith.constant 1 : i32
    %sub3A_1 = arith.subi %get3A_0, %sub3A : i32
    %min3A = arith.minsi %arg0, %sub3A_1 : i32
    %c0_i32 = arith.constant 0 : i32
    %c0_i32_2 = arith.constant 0 : i32
    return %min3A, %c0_i32 : i32, i32
  }
  func.func @transform_1(%arg0: i32, %arg1: memref<128xi32, #tpu.memory_space<smem>>) -> (i32, i32, i32) {
    %get3A = arith.constant 64 : index
    %get3A_0 = memref.load %arg1[%get3A] : memref<128xi32, #tpu.memory_space<smem>>
    %sub3A = arith.constant 1 : i32
    %sub3A_1 = arith.subi %get3A_0, %sub3A : i32
    %min3A = arith.minsi %arg0, %sub3A_1 : i32
    %get3A_2 = arith.index_cast %min3A : i32 to index
    %get3A_3 = memref.load %arg1[%get3A_2] : memref<128xi32, #tpu.memory_space<smem>>
    %c0_i32 = arith.constant 0 : i32
    %c0_i32_4 = arith.constant 0 : i32
    %c0_i32_5 = arith.constant 0 : i32
    return %get3A_3, %c0_i32, %c0_i32_4 : i32, i32, i32
  }
  func.func @transform_2(%arg0: i32, %arg1: memref<128xi32, #tpu.memory_space<smem>>) -> (i32, i32, i32) {
    %get3A = arith.constant 64 : index
    %get3A_0 = memref.load %arg1[%get3A] : memref<128xi32, #tpu.memory_space<smem>>
    %sub3A = arith.constant 1 : i32
    %sub3A_1 = arith.subi %get3A_0, %sub3A : i32
    %min3A = arith.minsi %arg0, %sub3A_1 : i32
    %get3A_2 = arith.index_cast %min3A : i32 to index
    %get3A_3 = memref.load %arg1[%get3A_2] : memref<128xi32, #tpu.memory_space<smem>>
    %c0_i32 = arith.constant 0 : i32
    %c0_i32_4 = arith.constant 0 : i32
    %c0_i32_5 = arith.constant 0 : i32
    return %get3A_3, %c0_i32, %c0_i32_4 : i32, i32, i32
  }
  func.func @transform_3(%arg0: i32, %arg1: memref<128xi32, #tpu.memory_space<smem>>) -> (i32, i32, i32) {
    %get3A = arith.constant 64 : index
    %get3A_0 = memref.load %arg1[%get3A] : memref<128xi32, #tpu.memory_space<smem>>
    %sub3A = arith.constant 1 : i32
    %sub3A_1 = arith.subi %get3A_0, %sub3A : i32
    %min3A = arith.minsi %arg0, %sub3A_1 : i32
    %get3A_2 = arith.index_cast %min3A : i32 to index
    %get3A_3 = memref.load %arg1[%get3A_2] : memref<128xi32, #tpu.memory_space<smem>>
    %c0_i32 = arith.constant 0 : i32
    %c0_i32_4 = arith.constant 0 : i32
    %c0_i32_5 = arith.constant 0 : i32
    return %get3A_3, %c0_i32, %c0_i32_4 : i32, i32, i32
  }
  func.func @transform_4(%arg0: i32, %arg1: memref<128xi32, #tpu.memory_space<smem>>) -> (i32, i32, i32) {
    %get3A = arith.constant 64 : index
    %get3A_0 = memref.load %arg1[%get3A] : memref<128xi32, #tpu.memory_space<smem>>
    %sub3A = arith.constant 1 : i32
    %sub3A_1 = arith.subi %get3A_0, %sub3A : i32
    %min3A = arith.minsi %arg0, %sub3A_1 : i32
    %get3A_2 = arith.index_cast %min3A : i32 to index
    %get3A_3 = memref.load %arg1[%get3A_2] : memref<128xi32, #tpu.memory_space<smem>>
    %c0_i32 = arith.constant 0 : i32
    %c0_i32_4 = arith.constant 0 : i32
    %c0_i32_5 = arith.constant 0 : i32
    return %get3A_3, %c0_i32, %c0_i32_4 : i32, i32, i32
  }
  func.func @transform_5(%arg0: i32, %arg1: memref<128xi32, #tpu.memory_space<smem>>) -> (i32, i32) {
    %get3A = arith.constant 64 : index
    %get3A_0 = memref.load %arg1[%get3A] : memref<128xi32, #tpu.memory_space<smem>>
    %sub3A = arith.constant 1 : i32
    %sub3A_1 = arith.subi %get3A_0, %sub3A : i32
    %min3A = arith.minsi %arg0, %sub3A_1 : i32
    %c0_i32 = arith.constant 0 : i32
    %c0_i32_2 = arith.constant 0 : i32
    return %min3A, %c0_i32 : i32, i32
  }
}

module attributes {stable_mosaic.version = 14 : i64} {
  func.func @_k5_body(%arg0: i32, %arg1: memref<256x4096xf32, #tpu.memory_space<vmem>>, %arg2: memref<256x4xf32, #tpu.memory_space<vmem>>, %arg3: memref<1024x12xbf16, #tpu.memory_space<vmem>>, %arg4: memref<1x12xf32, #tpu.memory_space<vmem>>, %arg5: memref<1x1xf32, #tpu.memory_space<smem>>, %arg6: memref<256x12xf32, #tpu.memory_space<vmem>>, %arg7: memref<256x12xf32, #tpu.memory_space<vmem>>) attributes {dimension_semantics = [#tpu.dimension_semantics<arbitrary>], iteration_bounds = array<i64: 4>, scalar_prefetch = 0 : i64, scratch_operands = 0 : i64, tpu.core_type = #tpu.core_type<tc>, window_params = [{transform_indices = @transform_0, window_bounds = array<i64: 256, 4096>}, {transform_indices = @transform_1, window_bounds = array<i64: 256, 4>}, {pipeline_mode = #tpu.pipeline_mode<synchronous>, transform_indices = @transform_2, window_bounds = array<i64: 1024, 12>}, {pipeline_mode = #tpu.pipeline_mode<synchronous>, transform_indices = @transform_3, window_bounds = array<i64: 1, 12>}, {transform_indices = @transform_4, window_bounds = array<i64: 1, 1>}, {transform_indices = @transform_5, window_bounds = array<i64: 256, 12>}, {transform_indices = @transform_6, window_bounds = array<i64: 256, 12>}]} {
    %get3A = arith.constant 0 : index
    %get3A_0 = arith.constant 0 : index
    %get3A_1 = vector.load %arg2[%get3A, %get3A_0] : memref<256x4xf32, #tpu.memory_space<vmem>>, vector<256x4xf32>
    %broadcast_in_dim3A = arith.constant 0.000000e+00 : f32
    %broadcast_in_dim3A_2 = vector.broadcast %broadcast_in_dim3A : f32 to vector<256x1024xf32>
    %iota3A = tpu.iota {dimensions = array<i32: 0>} : vector<4x1xi32>
    %eq3A = arith.constant 0 : i32
    %eq3A_3 = vector.broadcast %eq3A : i32 to vector<4x1xi32>
    %eq3A_4 = arith.cmpi eq, %iota3A, %eq3A_3 : vector<4x1xi32>
    %convert_element_type3A = arith.extui %eq3A_4 : vector<4x1xi1> to vector<4x1xi32>
    %convert_element_type3A_5 = arith.sitofp %convert_element_type3A : vector<4x1xi32> to vector<4x1xf32>
    %dot_general3A = arith.constant dense<0.000000e+00> : vector<256x1xf32>
    %dot_general3A_6 = tpu.matmul %get3A_1, %convert_element_type3A_5, %dot_general3A {dimension_numbers = #tpu.dot_dimension_numbers<[1], [0], [0], [1], [0, 0, 1, 1], [], []>, transpose_lhs_hint = false} : vector<256x4xf32>, vector<4x1xf32>, vector<256x1xf32> -> vector<256x1xf32>
    %get3A_7 = arith.constant 0 : index
    %get3A_8 = arith.constant 0 : index
    %get3A_9 = vector.load %arg1[%get3A_7, %get3A_8] : memref<256x4096xf32, #tpu.memory_space<vmem>>, vector<256x1024xf32>
    %mul3A = vector.broadcast %dot_general3A_6 : vector<256x1xf32> to vector<256x1024xf32>
    %mul3A_10 = arith.mulf %mul3A, %get3A_9 : vector<256x1024xf32>
    %add3A = arith.addf %broadcast_in_dim3A_2, %mul3A_10 : vector<256x1024xf32>
    %iota3A_11 = tpu.iota {dimensions = array<i32: 0>} : vector<4x1xi32>
    %eq3A_12 = arith.constant 1 : i32
    %eq3A_13 = vector.broadcast %eq3A_12 : i32 to vector<4x1xi32>
    %eq3A_14 = arith.cmpi eq, %iota3A_11, %eq3A_13 : vector<4x1xi32>
    %convert_element_type3A_15 = arith.extui %eq3A_14 : vector<4x1xi1> to vector<4x1xi32>
    %convert_element_type3A_16 = arith.sitofp %convert_element_type3A_15 : vector<4x1xi32> to vector<4x1xf32>
    %dot_general3A_17 = arith.constant dense<0.000000e+00> : vector<256x1xf32>
    %dot_general3A_18 = tpu.matmul %get3A_1, %convert_element_type3A_16, %dot_general3A_17 {dimension_numbers = #tpu.dot_dimension_numbers<[1], [0], [0], [1], [0, 0, 1, 1], [], []>, transpose_lhs_hint = false} : vector<256x4xf32>, vector<4x1xf32>, vector<256x1xf32> -> vector<256x1xf32>
    %get3A_19 = arith.constant 0 : index
    %get3A_20 = arith.constant 1024 : index
    %get3A_21 = vector.load %arg1[%get3A_19, %get3A_20] : memref<256x4096xf32, #tpu.memory_space<vmem>>, vector<256x1024xf32>
    %mul3A_22 = vector.broadcast %dot_general3A_18 : vector<256x1xf32> to vector<256x1024xf32>
    %mul3A_23 = arith.mulf %mul3A_22, %get3A_21 : vector<256x1024xf32>
    %add3A_24 = arith.addf %add3A, %mul3A_23 : vector<256x1024xf32>
    %iota3A_25 = tpu.iota {dimensions = array<i32: 0>} : vector<4x1xi32>
    %eq3A_26 = arith.constant 2 : i32
    %eq3A_27 = vector.broadcast %eq3A_26 : i32 to vector<4x1xi32>
    %eq3A_28 = arith.cmpi eq, %iota3A_25, %eq3A_27 : vector<4x1xi32>
    %convert_element_type3A_29 = arith.extui %eq3A_28 : vector<4x1xi1> to vector<4x1xi32>
    %convert_element_type3A_30 = arith.sitofp %convert_element_type3A_29 : vector<4x1xi32> to vector<4x1xf32>
    %dot_general3A_31 = arith.constant dense<0.000000e+00> : vector<256x1xf32>
    %dot_general3A_32 = tpu.matmul %get3A_1, %convert_element_type3A_30, %dot_general3A_31 {dimension_numbers = #tpu.dot_dimension_numbers<[1], [0], [0], [1], [0, 0, 1, 1], [], []>, transpose_lhs_hint = false} : vector<256x4xf32>, vector<4x1xf32>, vector<256x1xf32> -> vector<256x1xf32>
    %get3A_33 = arith.constant 0 : index
    %get3A_34 = arith.constant 2048 : index
    %get3A_35 = vector.load %arg1[%get3A_33, %get3A_34] : memref<256x4096xf32, #tpu.memory_space<vmem>>, vector<256x1024xf32>
    %mul3A_36 = vector.broadcast %dot_general3A_32 : vector<256x1xf32> to vector<256x1024xf32>
    %mul3A_37 = arith.mulf %mul3A_36, %get3A_35 : vector<256x1024xf32>
    %add3A_38 = arith.addf %add3A_24, %mul3A_37 : vector<256x1024xf32>
    %iota3A_39 = tpu.iota {dimensions = array<i32: 0>} : vector<4x1xi32>
    %eq3A_40 = arith.constant 3 : i32
    %eq3A_41 = vector.broadcast %eq3A_40 : i32 to vector<4x1xi32>
    %eq3A_42 = arith.cmpi eq, %iota3A_39, %eq3A_41 : vector<4x1xi32>
    %convert_element_type3A_43 = arith.extui %eq3A_42 : vector<4x1xi1> to vector<4x1xi32>
    %convert_element_type3A_44 = arith.sitofp %convert_element_type3A_43 : vector<4x1xi32> to vector<4x1xf32>
    %dot_general3A_45 = arith.constant dense<0.000000e+00> : vector<256x1xf32>
    %dot_general3A_46 = tpu.matmul %get3A_1, %convert_element_type3A_44, %dot_general3A_45 {dimension_numbers = #tpu.dot_dimension_numbers<[1], [0], [0], [1], [0, 0, 1, 1], [], []>, transpose_lhs_hint = false} : vector<256x4xf32>, vector<4x1xf32>, vector<256x1xf32> -> vector<256x1xf32>
    %get3A_47 = arith.constant 0 : index
    %get3A_48 = arith.constant 3072 : index
    %get3A_49 = vector.load %arg1[%get3A_47, %get3A_48] : memref<256x4096xf32, #tpu.memory_space<vmem>>, vector<256x1024xf32>
    %mul3A_50 = vector.broadcast %dot_general3A_46 : vector<256x1xf32> to vector<256x1024xf32>
    %mul3A_51 = arith.mulf %mul3A_50, %get3A_49 : vector<256x1024xf32>
    %add3A_52 = arith.addf %add3A_38, %mul3A_51 : vector<256x1024xf32>
    %max3A = arith.constant 0.000000e+00 : f32
    %max3A_53 = vector.broadcast %max3A : f32 to vector<256x1024xf32>
    %max3A_54 = arith.maximumf %add3A_52, %max3A_53 : vector<256x1024xf32>
    %get3A_55 = arith.constant 0 : index
    %get3A_56 = arith.constant 0 : index
    %get3A_57 = vector.load %arg3[%get3A_55, %get3A_56] : memref<1024x12xbf16, #tpu.memory_space<vmem>>, vector<1024x12xbf16>
    %convert_element_type3A_58 = arith.truncf %max3A_54 : vector<256x1024xf32> to vector<256x1024xbf16>
    %dot_general3A_59 = arith.constant dense<0.000000e+00> : vector<256x12xf32>
    %dot_general3A_60 = tpu.matmul %convert_element_type3A_58, %get3A_57, %dot_general3A_59 {dimension_numbers = #tpu.dot_dimension_numbers<[1], [0], [0], [1], [0, 0, 1, 1], [], []>, transpose_lhs_hint = false} : vector<256x1024xbf16>, vector<1024x12xbf16>, vector<256x12xf32> -> vector<256x12xf32>
    %get3A_61 = arith.constant 0 : index
    %get3A_62 = arith.constant 0 : index
    %get3A_63 = vector.load %arg4[%get3A_61, %get3A_62] : memref<1x12xf32, #tpu.memory_space<vmem>>, vector<1x12xf32>
    %add3A_64 = vector.broadcast %get3A_63 : vector<1x12xf32> to vector<256x12xf32>
    %add3A_65 = arith.addf %dot_general3A_60, %add3A_64 : vector<256x12xf32>
    %tanh3A = math.tanh %add3A_65 : vector<256x12xf32>
    %swap3A = arith.constant 0 : index
    %swap3A_66 = arith.constant 0 : index
    %swap3A_67 = vector.load %arg6[%swap3A, %swap3A_66] : memref<256x12xf32, #tpu.memory_space<vmem>>, vector<256x12xf32>
    tpu.vector_store %arg6[%swap3A, %swap3A_66], %tanh3A {strides = array<i32>} : memref<256x12xf32, #tpu.memory_space<vmem>>, vector<256x12xf32>,
    %get3A_68 = arith.constant 0 : index
    %get3A_69 = arith.constant 0 : index
    %get3A_70 = memref.load %arg5[%get3A_68, %get3A_69] : memref<1x1xf32, #tpu.memory_space<smem>>
    %broadcast_in_dim3A_71 = vector.broadcast %get3A_70 : f32 to vector<256x12xf32>
    %swap3A_72 = arith.constant 0 : index
    %swap3A_73 = arith.constant 0 : index
    %swap3A_74 = vector.load %arg7[%swap3A_72, %swap3A_73] : memref<256x12xf32, #tpu.memory_space<vmem>>, vector<256x12xf32>
    tpu.vector_store %arg7[%swap3A_72, %swap3A_73], %broadcast_in_dim3A_71 {strides = array<i32>} : memref<256x12xf32, #tpu.memory_space<vmem>>, vector<256x12xf32>,
    return
  }
  func.func @transform_0(%arg0: i32) -> (i32, i32) {
    %c0_i32 = arith.constant 0 : i32
    %c0_i32_0 = arith.constant 0 : i32
    return %arg0, %c0_i32 : i32, i32
  }
  func.func @transform_1(%arg0: i32) -> (i32, i32) {
    %c0_i32 = arith.constant 0 : i32
    %c0_i32_0 = arith.constant 0 : i32
    return %arg0, %c0_i32 : i32, i32
  }
  func.func @transform_2(%arg0: i32) -> (i32, i32) {
    %c0_i32 = arith.constant 0 : i32
    %c0_i32_0 = arith.constant 0 : i32
    %c0_i32_1 = arith.constant 0 : i32
    return %c0_i32, %c0_i32_0 : i32, i32
  }
  func.func @transform_3(%arg0: i32) -> (i32, i32) {
    %c0_i32 = arith.constant 0 : i32
    %c0_i32_0 = arith.constant 0 : i32
    %c0_i32_1 = arith.constant 0 : i32
    return %c0_i32, %c0_i32_0 : i32, i32
  }
  func.func @transform_4(%arg0: i32) -> (i32, i32) {
    %c0_i32 = arith.constant 0 : i32
    %c0_i32_0 = arith.constant 0 : i32
    %c0_i32_1 = arith.constant 0 : i32
    return %c0_i32, %c0_i32_0 : i32, i32
  }
  func.func @transform_5(%arg0: i32) -> (i32, i32) {
    %c0_i32 = arith.constant 0 : i32
    %c0_i32_0 = arith.constant 0 : i32
    return %arg0, %c0_i32 : i32, i32
  }
  func.func @transform_6(%arg0: i32) -> (i32, i32) {
    %c0_i32 = arith.constant 0 : i32
    %c0_i32_0 = arith.constant 0 : i32
    return %arg0, %c0_i32 : i32, i32
  }
}

</mosaic_0001>

<sc_bundles>
// kernel: kernel.10.cloned.1.call-start
scs
__scs_entry_jumppad:
0x0: {  	(pc) =	sbr.rel $0x88, $3  }
0x1: {  	(tag) =	ssettag $0x0;
	lr =	simm.s32 $0x1  }
0x2: {  	[smem:$0x3F86] =	sst lr;
	_ =	strace $0xD0000000  }
0x3: {  	_ = 	snop  }
0x4: {  	_ = 	snop  }
0x5: {  	_ = 	snop  }
0x6: {  	_ = 	snop  }
0x7: {  	_ = 	snop  }
__scs_overlays_trampoline_lowered:
0x8: {  	[smem:$0x3F95] =	sst s0  }
0x9: {  	[smem:$0x3F96] =	sst s1  }
0xa: {  	[smem:$0x3F97] =	sst s2  }
0xb: {  	[smem:$0x3F98] =	sst s3  }
0xc: {  	[smem:$0x3F99] =	sst s4  }
0xd: {  	[smem:$0x3F9A] =	sst s5  }
0xe: {  	[smem:$0x3F9B] =	sst s6  }
0xf: {  	[smem:$0x3F9C] =	sst s7  }
0x10: {  	[smem:$0x3F9D] =	sst s8  }
0x11: {  	[smem:$0x3F9E] =	sst s9;
	s0 =	simm.s32 @!p0 $0x0  }
0x12: {  	s1 =	sld [smem:$0x3F84];
	s0 =	simm.s32 @p0 $0x1  }
0x13: {  	[smem:$0x3F9F] =	sst s0;
	s0 =	simm.s32 @!p1 $0x0  }
0x14: {  	s2 =	sld [smem:$0x3F83];
	s0 =	simm.s32 @p1 $0x1  }
0x15: {  	[smem:$0x3FA0] =	sst s0;
	s0 =	simm.s32 @!p2 $0x0  }
0x16: {  	s3 =	sld [smem:$0x3FDB];
	s0 =	simm.s32 @p2 $0x1  }
0x17: {  	s4 =	simm.s32 $0x1BF5;
	[smem:$0x3FA2] =	sst s0  }
0x18: {  	s0 =	sld [smem:$0x3F85];
	_ =	swait.ge [sflag:s4], $0x0  }
0x19: {  	s7 =	sld [smem:$0x3F86]  }
0x1a: {  	s8 =	sadd.s32 $0xFFFFE003, lr  }
0x1b: {  	s9 =	sadd.s32 $0xFFFFFEF7, lr;
	s5 =	simm.s32 $0xFFFFFFFF;
	p2 =	slt.u32 s8, $0xFFFFF086  }
0x1c: {  	p1 =	slt.u32 s9, $0xF7A;
	s5 =	simm.s32 @!p2 $0x0  }
0x1d: {  	s5 =	simm.s32 @p1 $0x1;
	p0 =	seq.s32 s7, s2  }
0x1e: {  	s7 =	smul.u32 @!p0 $0xF7A, s2;
	p2 =	seq.s32 @!p0 s5, $0x0  }
0x1f: {  	s9 =	smul.u32 $0xF7A, s1;
	s8 =	simm.s32 @!p0 $0x1BF5;
	p2 =	por !p2, p0  }
0x20: {  	[sflag:s8] =	ssyncset.s32 @!p0 $0xFFFFF086;
	s6 =	sadd.s32 @!p0 s3, s7;
	s7 =	simm.s32 @!p0 $0x108  }
0x21: {  	s3 =	sadd.s32 s3, s9;
	s6 =	sadd.s32 @!p0 $0x88, s6;
	s7 =	simm.s32 @p2 $0x1082  }
0x22: {  	[simem:s7], [sflag:s8] =	dma.local @!p0 [hbm:s6], $0xF7A  }
0x23: {  	s9 =	sor.u32 $0xD0000000, s2;
	s6 =	simm.s32 $0x108;
	_ =	swait.ge @!p0 [sflag:s8], $0x0  }
0x24: {  	s3 =	sadd.s32 $0x88, s3;
	s6 =	simm.s32 @!p1 $0x1082;
	[sflag:s4] =	ssyncset.s32 $0xFFFFF086  }
0x25: {  	[simem:s6], [sflag:s4] =	dma.local [hbm:s3], $0xF7A  }
0x26: {  	[smem:$0x3F86] =	sst s1;
	(tag) =	ssettag s2;
	_ =	strace s9  }
0x27: {  	s1 =	sld [smem:$0x3F96]  }
0x28: {  	s2 =	sld [smem:$0x3F97]  }
0x29: {  	s4 =	sld [smem:$0x3F99]  }
0x2a: {  	p0 =	seq.s32 s5, $0x0;
	s5 =	sld [smem:$0x3F9A]  }
0x2b: {  	s6 =	sld [smem:$0x3F9B]  }
0x2c: {  	s7 =	sld [smem:$0x3F9C]  }
0x2d: {  	s3 =	simm.s32 $0x108;
	s8 =	sld [smem:$0x3F9D]  }
0x2e: {  	s3 =	simm.s32 @!p0 $0x1082;
	s9 =	sld [smem:$0x3F9E]  }
0x2f: {  	lr =	sadd.s32 s0, s3;
	s0 =	sld [smem:$0x3F95]  }
0x30: {  	s3 =	sld [smem:$0x3F98]  }
0x31: {  	[smem:$0x3FA1] =	sst s10  }
0x32: {  	s10 =	sld [smem:$0x3F9F];
	_ =	sdelay $0x3  }
0x33: {  	p0 =	seq.s32 s10, $0x1;
	s10 =	sld [smem:$0x3FA1];
	_ =	sdelay $0x3  }
0x34: {  	[smem:$0x3FA1] =	sst s10  }
0x35: {  	s10 =	sld [smem:$0x3FA0];
	_ =	sdelay $0x3  }
0x36: {  	p1 =	seq.s32 s10, $0x1;
	s10 =	sld [smem:$0x3FA1];
	_ =	sdelay $0x3  }
0x37: {  	[smem:$0x3FA1] =	sst s10  }
0x38: {  	s10 =	sld [smem:$0x3FA2]  }
0x39: {  	_ = 	snop;
	(pc) =	sbr.ind lr, $3  }
0x3a: {  	_ = 	snop  }
0x3b: {  	_ = 	snop  }
0x3c: {  	p2 =	seq.s32 s10, $0x1;
	s10 =	sld [smem:$0x3FA1]  }
0x3d: {  	_ =	shalt  }
0x3e: {  	_ =	shalt  }
0x3f: {  	_ =	shalt  }
0x40: {  	_ =	shalt  }
0x41: {  	_ =	shalt  }
0x42: {  	_ =	shalt  }
0x43: {  	_ =	shalt  }
0x44: {  	_ =	shalt  }
0x45: {  	_ =	shalt  }
0x46: {  	_ =	shalt  }
0x47: {  	_ =	shalt  }
0x48: {  	_ =	shalt  }
0x49: {  	_ =	shalt  }
0x4a: {  	_ =	shalt  }
0x4b: {  	_ =	shalt  }
0x4c: {  	_ =	shalt  }
0x4d: {  	_ =	shalt  }
0x4e: {  	_ =	shalt  }
0x4f: {  	_ =	shalt  }
0x50: {  	_ =	shalt  }
0x51: {  	_ =	shalt  }
0x52: {  	_ =	shalt  }
0x53: {  	_ =	shalt  }
0x54: {  	_ =	shalt  }
0x55: {  	_ =	shalt  }
0x56: {  	_ =	shalt  }
0x57: {  	_ =	shalt  }
0x58: {  	_ =	shalt  }
0x59: {  	_ =	shalt  }
0x5a: {  	_ =	shalt  }
0x5b: {  	_ =	shalt  }
0x5c: {  	_ =	shalt  }
0x5d: {  	_ =	shalt  }
0x5e: {  	_ =	shalt  }
0x5f: {  	_ =	shalt  }
0x60: {  	_ =	shalt  }
0x61: {  	_ =	shalt  }
0x62: {  	_ =	shalt  }
0x63: {  	_ =	shalt  }
0x64: {  	_ =	shalt  }
0x65: {  	_ =	shalt  }
0x66: {  	_ =	shalt  }
0x67: {  	_ =	shalt  }
0x68: {  	_ =	shalt  }
0x69: {  	_ =	shalt  }
0x6a: {  	_ =	shalt  }
0x6b: {  	_ =	shalt  }
0x6c: {  	_ =	shalt  }
0x6d: {  	_ =	shalt  }
0x6e: {  	_ =	shalt  }
0x6f: {  	_ =	shalt  }
0x70: {  	_ =	shalt  }
0x71: {  	_ =	shalt  }
0x72: {  	_ =	shalt  }
0x73: {  	_ =	shalt  }
0x74: {  	_ =	shalt  }
0x75: {  	_ =	shalt  }
0x76: {  	_ =	shalt  }
0x77: {  	_ =	shalt  }
0x78: {  	_ =	shalt  }
0x79: {  	_ =	shalt  }
0x7a: {  	_ =	shalt  }
0x7b: {  	_ =	shalt  }
0x7c: {  	_ =	shalt  }
0x7d: {  	_ =	shalt  }
0x7e: {  	_ =	shalt  }
0x7f: {  	_ =	shalt  }
0x80: {  	_ =	shalt  }
0x81: {  	_ =	shalt  }
0x82: {  	_ =	shalt  }
0x83: {  	_ =	shalt  }
0x84: {  	_ =	shalt  }
0x85: {  	_ =	shalt  }
0x86: {  	_ =	shalt  }
0x87: {  	_ =	shalt  }
.Lfunc_end0:
.L_simem_size_0:
called_computation.1_lowered:
.L_overlay_start_0:
0x88: {  	s2 =	sld [smem:$0x3FD9]  }
0x89: {  	s3 =	sld [smem:$0x3FFE];
	_ =	sdelay $0x1  }
0x8a: {  	s1 =	srdreg.scid  }
0x8b: {  	s0 =	sand.u32 $0x1, s1  }
0x8c: {  	s14 =	sshll.u32 s0, $0xA;
	s2 =	sadd.s32 s3, s2  }
0x8d: {  	s2 =	sadd.s32 s2, s14  }
0x8e: {  	[smem:$0x3FAD] =	sst s2  }
0x8f: {  	_ = 	snop  }
0x90: {  	s2 =	sld [smem:$0x3FD0];
	_ =	sdelay $0x2  }
0x91: {  	s15 =	simm.s32 $0xA;
	s4 =	simm.s32 $0x10  }
0x92: {  	[smem:s4], [sflag:s15] =	dma.local [hbm:s2], $0x1  }
0x93: {  	_ =	swait.eq [sflag:s15], $0x1  }
0x94: {  	[sflag:s15] =	ssyncset.done $0x0  }
0x95: {  	[sflag:s15] =	ssyncadd.s32 $0xFFFFFFFF  }
0x96: {  	s16 =	sld [smem:$0x11];
	(tm) =	ssettm $0x1  }
0x97: {  	s17 =	sld [smem:$0x3FFB];
	_ =	sdelay $0x3  }
0x98: {  	_ =	strace s17  }
0x99: {  	s3 =	sld [smem:$0x3FFC];
	_ =	sdelay $0x3  }
0x9a: {  	_ =	strace s3  }
0x9b: {  	s3 =	sld [smem:$0x3FFD];
	_ =	sdelay $0x3  }
0x9c: {  	_ =	strace s3  }
0x9d: {  	_ =	strace $0x8FFFFFFF  }
0x9e: {  	s18 =	sld [smem:$0x3FDB];
	_ =	sdelay $0x1  }
0x9f: {  	s19 =	simm.s32 $_scs_section_size  }
0xa0: {  	s5 =	simm.s32 $_size__tile_overlayer_lowered;
	s6 =	simm.s32 $_tile_overlayer_lowered  }
0xa1: {  	s22 =	simm.s32 $0x1BFF;
	s21 =	sshll.u32 s6, $0x1;
	s3 =	sadd.s32 s19, s18  }
0xa2: {  	s7 =	simm.s32 $0x0;
	s20 =	sshll.u32 s5, $0x1;
	s5 =	sadd.s32 s21, s3  }
0xa3: {  	[timem:s7], [sflag:s22] =	dma.local [hbm:s5], s20  }
0xa4: {  	_ =	swait.ge [sflag:s22], s20  }
0xa5: {  	s4 =	ssub.s32 $0x0, s20;
	[sflag:s22] =	ssyncset.done $0x0  }
0xa6: {  	[sflag:s22] =	ssyncadd.s32 s4;
	_ =	sdelay $0x1  }
0xa7: {  	s23 =	simm.s32 $0x1B8B  }
0xa8: {  	_ =	swait.ge [sflag:s23], $0x1  }
0xa9: {  	[sflag:s23] =	ssyncset.done $0x0  }
0xaa: {  	s25 =	simm.s32 $0x1B8E;
	s24 =	sld [smem:$0x3FFE];
	[sflag:s23] =	ssyncadd.s32 $0xFFFFFFFF  }
0xab: {  	s26 =	simm.s32 $execute0_lowered;
	[smem:$0x3FD2] =	sst s25  }
0xac: {  	s5 =	sshll.u32 s26, $0x1;
	_ =	strace $0x80000049;
	[dreg:$0x1] =	wrdreg $0xFFFFFFFF  }
0xad: {  	s28 =	simm.s32 $_size_execute0_lowered;
	s3 =	sadd.s32 s3, s5;
	[dreg:$0x0] =	wrdreg $0x0  }
0xae: {  	s5 =	sshll.u32 s28, $0x1;
	[dreg:$0x2] =	wrdreg s3  }
0xaf: {  	[dreg:$0x3] =	wrdreg s5  }
0xb0: {  	[dreg:$0x4] =	wrdreg $0xC0  }
0xb1: {  	_ =	task [dreg:s7], $0x5FFFF  }
0xb2: {  	[dreg:$0x1] =	wrdreg $0xFFFFFFFF  }
0xb3: {  	[dreg:$0x0] =	wrdreg $0x60  }
0xb4: {  	[dreg:$0x2] =	wrdreg s16  }
0xb5: {  	[dreg:$0x3] =	wrdreg s24  }
0xb6: {  	[dreg:$0x4] =	wrdreg $0x9  }
0xb7: {  	_ =	task.clear_ibuf [dreg:s7], $0x5FFFF;
	_ =	strace $0x90000049  }
0xb8: {  	s29 =	simm.s32 $0x9;
	_ =	strace $0x8000004B  }
0xb9: {  	_ =	swait.ge [sflag:s29], $0x1  }
0xba: {  	[sflag:s29] =	ssyncadd.s32 $0xFFFFFFFF  }
0xbb: {  	_ =	strace $0x9000004B  }
0xbc: {  	_ =	sfence  }
0xbd: {  	s30 =	sld [smem:$0x0];
	_ =	sdelay $0x2  }
0xbe: {  	s31 =	sshll.u32 s1, $0xD;
	s1 =	sshrl.u32 s1, $0x2  }
0xbf: {  	s3 =	sand.u32 $0x4000, s31;
	s1 =	sadd.s32 s1, s30  }
0xc0: {  	s0 =	sor.u32 s3, s0;
	s1 =	sshll.u32 s1, $0x11  }
0xc1: {  	s0 =	sor.u32 s1, s0  }
0xc2: {  	s0 =	sadd.s32 $0x8F2B, s0  }
0xc3: {  	[sflag:s0] =	ssyncadd.remote.s32 $0x1  }
0xc4: {  	_ =	sfence.sel $0xFFFF  }
0xc5: {  	[dreg:$0x0] =	wrdreg $0xFFFFFFFF;
	(pc) =	sbr.abs _section_cstart, $3  }
0xc6: {  	[dreg:$0x1] =	wrdreg $0xFFFFFFFF  }
0xc7: {  	_ =	task.clear_ibuf [dreg:s7], $0x2FFFF;
	_ =	strace $0x9FFFFFFF  }
0xc8: {  	(tm) =	ssettm $0x7FFFFFFF  }
0xc9: {  	_ =	shalt  }
tec
execute0_lowered:
.L_overlay_start_1:
0x0: {  	(tag) =	ssettag $0x1  }
0x1: {  	s0 =	rddreg [dreg:$0x0]  }
0x2: {  	s1 =	rddreg [dreg:$0x1];
	s2 =	simm.s32 $0x0  }
0x3: {  	s3 =	srdreg.scid;
	s7 =	stileid.u32;
	s19 =	simm.s32 $0x2  }
0x4: {  	s28 =	simm.s32 $0x2A00;
	s29 =	simm.s32 $0x3200;
	s30 =	simm.s32 $0x3A00  }
0x5: {  	s31 =	simm.s32 $0x4200;
	s8 =	simm.s32 $0x4A00;
	s10 =	simm.s32 $0x5A00  }
0x6: {  	s11 =	simm.s32 $0x6200;
	s12 =	simm.s32 $0x6A00;
	s13 =	simm.s32 $0x7200  }
0x7: {  	s14 =	simm.s32 $0x7A00;
	s15 =	simm.s32 $0x8A00;
	s16 =	simm.s32 $0x9200  }
0x8: {  	s17 =	simm.s32 $0x9A00;
	s18 =	simm.s32 $0xA200;
	[smem:$0x7FF] =	sst s2  }
0x9: {  	s4 =	sand.u32 $0x1, s3;
	s20 =	sshll.u32 s7, $0xF;
	s3 =	sadd.s32 $0x1A6A00, s1  }
0xa: {  	s7 =	sshll.u32 s7, $0x7;
	_ =	strace $0x8000004A;
	s5 =	sshll.u32 s4, $0xE  }
0xb: {  	s6 =	sshll.u32 s4, $0x6;
	s4 =	ssub.s32 $0x2, s4;
	s5 =	sor.u32 s5, s20  }
0xc: {  	s0 =	sadd.s32 s0, s6;
	s22 =	sshrl.u32 s4, $0x1;
	s6 =	sadd.s32 $0x1A6D00, s1  }
0xd: {  	s5 =	sadd.s32 s5, s1;
	s0 =	sadd.s32 s7, s0;
	s24 =	ssub.s32 s4, s22  }
0xe: {  	s4 =	sadd.s32 $0x1A6B00, s1;
	[dreg:$0x3] =	wrdreg s0;
	s21 =	sadd.s32 $0x26400, s5  }
0xf: {  	s22 =	simm.s32 $0x1200;
	s23 =	sadd.s32 $0x27400, s5;
	[dreg:$0x4] =	wrdreg s21  }
0x10: {  	s25 =	sadd.s32 $0x28400, s5;
	s26 =	sadd.s32 $0x29400, s5;
	[dreg:$0x5] =	wrdreg s23  }
0x11: {  	v2 =	vlaneseq.u32;
	s5 =	sadd.s32 $0x1A6C00, s1;
	s7 =	smax.u32 s24, $0x1;
	[dreg:$0x6] =	wrdreg s25  }
0x12: {  	vm0 =	vmmov $0xffff;
	v1 =	vshrl.u32 v2, $0x3;
	s24 =	simm.s32 $0x2200;
	[dreg:$0x7] =	wrdreg s26;
	s25 =	simm.s32 $0x1  }
0x13: {  	v0 =	vand.u32 $0x7, v2;
	v2 =	vor.u32 $0x8, v2;
	v1 =	vmul.u32 $0x8, v1;
	s26 =	simm.s32 $0x200;
	s21 =	simm.s32 $0xA00;
	s23 =	simm.s32 $0x1A00  }
.LBB2_1:
0x14: {  	s20 =	rddreg [dreg:$0x3];
	s0 =	simm.s32 $0x3  }
0x15: {  	[tilespmem:s2], [sflag:$0x3] =	stream.linear.gather [hbm4b:s20+s2], $0x200, $0x38;
	[tilespmem:$0x10200] =	vst v63  }
0x16: {  	_ =	swait.ge [sflag:s0], $0x200  }
0x17: {  	[sflag:s0] =	ssyncset.done $0x0  }
0x18: {  	[sflag:s0] =	ssyncadd.s32 $0xFFFFFE00  }
0x19: {  	v3 =	vld [tilespmem:$0x0];
	_ =	sdelay $0x4  }
0x1a: {  	v4 =	vshll.u32 v3, $0x3  }
0x1b: {  	v3 =	vand.u32 $0x7, v3;
	v4 =	vand.u32 $0xFFFFFFC0, v4  }
0x1c: {  	v3 =	vor.u32 v3, v4  }
0x1d: {  	v4 =	vperm.xlane v3, v0;
	_ =	sdelay $0x1  }
0x1e: {  	v4 =	vadd.s32 v1, v4;
	_ =	sdelay $0x4  }
0x1f: {  	[tilespmem:s26], [sflag:$0x1] =	stream.indirect_vreg.gather [hbm4b:s3+s2], $0x80, v4, vm0, $0xb8;
	[tilespmem:$0x10200] =	vst v63  }
0x20: {  	v3 =	vperm.xlane v3, v2  }
0x21: {  	[tilespmem:s21], [sflag:$0x1] =	stream.indirect_vreg.gather [hbm4b:s4+s2], $0x80, v4, vm0, $0xb8;
	[tilespmem:$0x10200] =	vst v63  }
0x22: {  	v3 =	vadd.s32 v1, v3  }
0x23: {  	[tilespmem:s22], [sflag:$0x1] =	stream.indirect_vreg.gather [hbm4b:s5+s2], $0x80, v4, vm0, $0xb8;
	[tilespmem:$0x10200] =	vst v63  }
0x24: {  	_ = 	snop  }
0x25: {  	[tilespmem:s23], [sflag:$0x1] =	stream.indirect_vreg.gather [hbm4b:s6+s2], $0x80, v4, vm0, $0xb8;
	[tilespmem:$0x10200] =	vst v63  }
0x26: {  	_ = 	snop  }
0x27: {  	[tilespmem:s24], [sflag:$0x1] =	stream.indirect_vreg.gather [hbm4b:s3+s2], $0x80, v3, vm0, $0xb8;
	[tilespmem:$0x10200] =	vst v63  }
0x28: {  	_ = 	snop  }
0x29: {  	[tilespmem:s28], [sflag:$0x1] =	stream.indirect_vreg.gather [hbm4b:s4+s2], $0x80, v3, vm0, $0xb8;
	[tilespmem:$0x10200] =	vst v63  }
0x2a: {  	_ = 	snop  }
0x2b: {  	[tilespmem:s29], [sflag:$0x1] =	stream.indirect_vreg.gather [hbm4b:s5+s2], $0x80, v3, vm0, $0xb8;
	[tilespmem:$0x10200] =	vst v63  }
0x2c: {  	_ = 	snop  }
0x2d: {  	[tilespmem:s30], [sflag:$0x1] =	stream.indirect_vreg.gather [hbm4b:s6+s2], $0x80, v3, vm0, $0xb8;
	[tilespmem:$0x10200] =	vst v63  }
0x2e: {  	v3 =	vld [tilespmem:$0x10];
	_ =	sdelay $0x4  }
0x2f: {  	v57 =	vshll.u32 v3, $0x3  }
0x30: {  	v3 =	vand.u32 $0x7, v3;
	v4 =	vand.u32 $0xFFFFFFC0, v57  }
0x31: {  	v3 =	vor.u32 v3, v4  }
0x32: {  	v4 =	vperm.xlane v3, v0;
	_ =	sdelay $0x1  }
0x33: {  	v4 =	vadd.s32 v1, v4;
	_ =	sdelay $0x4  }
0x34: {  	[tilespmem:s31], [sflag:$0x1] =	stream.indirect_vreg.gather [hbm4b:s3+s2], $0x80, v4, vm0, $0xb8;
	[tilespmem:$0x10200] =	vst v63  }
0x35: {  	v3 =	vperm.xlane v3, v2  }
0x36: {  	[tilespmem:s8], [sflag:$0x1] =	stream.indirect_vreg.gather [hbm4b:s4+s2], $0x80, v4, vm0, $0xb8;
	[tilespmem:$0x10200] =	vst v63  }
0x37: {  	s1 =	simm.s32 $0x5200;
	v3 =	vadd.s32 v1, v3  }
0x38: {  	[tilespmem:s1], [sflag:$0x1] =	stream.indirect_vreg.gather [hbm4b:s5+s2], $0x80, v4, vm0, $0xb8;
	[tilespmem:$0x10200] =	vst v63  }
0x39: {  	_ = 	snop  }
0x3a: {  	[tilespmem:s10], [sflag:$0x1] =	stream.indirect_vreg.gather [hbm4b:s6+s2], $0x80, v4, vm0, $0xb8;
	[tilespmem:$0x10200] =	vst v63  }
0x3b: {  	_ = 	snop  }
0x3c: {  	[tilespmem:s11], [sflag:$0x1] =	stream.indirect_vreg.gather [hbm4b:s3+s2], $0x80, v3, vm0, $0xb8;
	[tilespmem:$0x10200] =	vst v63  }
0x3d: {  	_ = 	snop  }
0x3e: {  	[tilespmem:s12], [sflag:$0x1] =	stream.indirect_vreg.gather [hbm4b:s4+s2], $0x80, v3, vm0, $0xb8;
	[tilespmem:$0x10200] =	vst v63  }
0x3f: {  	_ = 	snop  }
0x40: {  	[tilespmem:s13], [sflag:$0x1] =	stream.indirect_vreg.gather [hbm4b:s5+s2], $0x80, v3, vm0, $0xb8;
	[tilespmem:$0x10200] =	vst v63  }
0x41: {  	_ = 	snop  }
0x42: {  	[tilespmem:s14], [sflag:$0x1] =	stream.indirect_vreg.gather [hbm4b:s6+s2], $0x80, v3, vm0, $0xb8;
	[tilespmem:$0x10200] =	vst v63  }
0x43: {  	_ =	swait.ge [sflag:s25], $0x8000  }
0x44: {  	[sflag:s25] =	ssyncset.done $0x0  }
0x45: {  	s0 =	rddreg [dreg:$0x4];
	[sflag:s25] =	ssyncadd.s32 $0xFFFF8000  }
0x46: {  	[hbm4b:s0+s2] =	stream.linear.scatter [tilespmem:s26], [sflag:$0x2], $0x8000, $0x38;
	[tilespmem:$0x10200] =	vst v63  }
0x47: {  	v3 =	vld [tilespmem:$0x80];
	_ =	sdelay $0x4  }
0x48: {  	v58 =	vshll.u32 v3, $0x3  }
0x49: {  	v3 =	vand.u32 $0x7, v3;
	v4 =	vand.u32 $0xFFFFFFC0, v58  }
0x4a: {  	v3 =	vor.u32 v3, v4  }
0x4b: {  	v4 =	vperm.xlane v3, v0;
	_ =	sdelay $0x1  }
0x4c: {  	v4 =	vadd.s32 v1, v4;
	_ =	sdelay $0x3  }
0x4d: {  	s0 =	simm.s32 $0x8200  }
0x4e: {  	[tilespmem:s0], [sflag:$0x1] =	stream.indirect_vreg.gather [hbm4b:s3+s2], $0x80, v4, vm0, $0xb8;
	[tilespmem:$0x10200] =	vst v63  }
0x4f: {  	v3 =	vperm.xlane v3, v2  }
0x50: {  	[tilespmem:s15], [sflag:$0x1] =	stream.indirect_vreg.gather [hbm4b:s4+s2], $0x80, v4, vm0, $0xb8;
	[tilespmem:$0x10200] =	vst v63  }
0x51: {  	v3 =	vadd.s32 v1, v3  }
0x52: {  	[tilespmem:s16], [sflag:$0x1] =	stream.indirect_vreg.gather [hbm4b:s5+s2], $0x80, v4, vm0, $0xb8;
	[tilespmem:$0x10200] =	vst v63  }
0x53: {  	_ = 	snop  }
0x54: {  	[tilespmem:s17], [sflag:$0x1] =	stream.indirect_vreg.gather [hbm4b:s6+s2], $0x80, v4, vm0, $0xb8;
	[tilespmem:$0x10200] =	vst v63  }
0x55: {  	_ = 	snop  }
0x56: {  	[tilespmem:s18], [sflag:$0x1] =	stream.indirect_vreg.gather [hbm4b:s3+s2], $0x80, v3, vm0, $0xb8;
	[tilespmem:$0x10200] =	vst v63  }
0x57: {  	s9 =	simm.s32 $0xAA00  }
0x58: {  	[tilespmem:s9], [sflag:$0x1] =	stream.indirect_vreg.gather [hbm4b:s4+s2], $0x80, v3, vm0, $0xb8;
	[tilespmem:$0x10200] =	vst v63  }
0x59: {  	s9 =	simm.s32 $0xB200  }
0x5a: {  	[tilespmem:s9], [sflag:$0x1] =	stream.indirect_vreg.gather [hbm4b:s5+s2], $0x80, v3, vm0, $0xb8;
	[tilespmem:$0x10200] =	vst v63  }
0x5b: {  	s20 =	simm.s32 $0xBA00  }
0x5c: {  	[tilespmem:s20], [sflag:$0x1] =	stream.indirect_vreg.gather [hbm4b:s6+s2], $0x80, v3, vm0, $0xb8;
	[tilespmem:$0x10200] =	vst v63  }
0x5d: {  	v3 =	vld [tilespmem:$0x90];
	_ =	sdelay $0x4  }
0x5e: {  	v59 =	vshll.u32 v3, $0x3  }
0x5f: {  	v3 =	vand.u32 $0x7, v3;
	v4 =	vand.u32 $0xFFFFFFC0, v59  }
0x60: {  	v3 =	vor.u32 v3, v4  }
0x61: {  	v4 =	vperm.xlane v3, v0;
	_ =	sdelay $0x1  }
0x62: {  	v4 =	vadd.s32 v1, v4;
	_ =	sdelay $0x3  }
0x63: {  	s20 =	simm.s32 $0xC200  }
0x64: {  	[tilespmem:s20], [sflag:$0x1] =	stream.indirect_vreg.gather [hbm4b:s3+s2], $0x80, v4, vm0, $0xb8;
	[tilespmem:$0x10200] =	vst v63  }
0x65: {  	v3 =	vperm.xlane v3, v2;
	s20 =	simm.s32 $0xCA00  }
0x66: {  	[tilespmem:s20], [sflag:$0x1] =	stream.indirect_vreg.gather [hbm4b:s4+s2], $0x80, v4, vm0, $0xb8;
	[tilespmem:$0x10200] =	vst v63  }
0x67: {  	v3 =	vadd.s32 v1, v3;
	s20 =	simm.s32 $0xD200  }
0x68: {  	[tilespmem:s20], [sflag:$0x1] =	stream.indirect_vreg.gather [hbm4b:s5+s2], $0x80, v4, vm0, $0xb8;
	[tilespmem:$0x10200] =	vst v63  }
0x69: {  	s20 =	simm.s32 $0xDA00  }
0x6a: {  	[tilespmem:s20], [sflag:$0x1] =	stream.indirect_vreg.gather [hbm4b:s6+s2], $0x80, v4, vm0, $0xb8;
	[tilespmem:$0x10200] =	vst v63  }
0x6b: {  	s20 =	simm.s32 $0xE200  }
0x6c: {  	[tilespmem:s20], [sflag:$0x1] =	stream.indirect_vreg.gather [hbm4b:s3+s2], $0x80, v3, vm0, $0xb8;
	[tilespmem:$0x10200] =	vst v63  }
0x6d: {  	s20 =	simm.s32 $0xEA00  }
0x6e: {  	[tilespmem:s20], [sflag:$0x1] =	stream.indirect_vreg.gather [hbm4b:s4+s2], $0x80, v3, vm0, $0xb8;
	[tilespmem:$0x10200] =	vst v63  }
0x6f: {  	s20 =	simm.s32 $0xF200  }
0x70: {  	[tilespmem:s20], [sflag:$0x1] =	stream.indirect_vreg.gather [hbm4b:s5+s2], $0x80, v3, vm0, $0xb8;
	[tilespmem:$0x10200] =	vst v63  }
0x71: {  	s20 =	simm.s32 $0xFA00  }
0x72: {  	[tilespmem:s20], [sflag:$0x1] =	stream.indirect_vreg.gather [hbm4b:s6+s2], $0x80, v3, vm0, $0xb8;
	[tilespmem:$0x10200] =	vst v63  }
0x73: {  	_ =	swait.ge [sflag:s25], $0x8000  }
0x74: {  	[sflag:s25] =	ssyncset.done $0x0  }
0x75: {  	s20 =	rddreg [dreg:$0x5];
	[sflag:s25] =	ssyncadd.s32 $0xFFFF8000  }
0x76: {  	[hbm4b:s20+s2] =	stream.linear.scatter [tilespmem:s0], [sflag:$0x2], $0x8000, $0x38;
	[tilespmem:$0x10200] =	vst v63  }
0x77: {  	_ =	swait.ge [sflag:s19], $0x8000  }
0x78: {  	[sflag:s19] =	ssyncset.done $0x0  }
0x79: {  	[sflag:s19] =	ssyncadd.s32 $0xFFFF8000  }
0x7a: {  	v3 =	vld [tilespmem:$0x100];
	_ =	sdelay $0x4  }
0x7b: {  	v60 =	vshll.u32 v3, $0x3  }
0x7c: {  	v3 =	vand.u32 $0x7, v3;
	v4 =	vand.u32 $0xFFFFFFC0, v60  }
0x7d: {  	v3 =	vor.u32 v3, v4  }
0x7e: {  	v4 =	vperm.xlane v3, v0;
	_ =	sdelay $0x1  }
0x7f: {  	v4 =	vadd.s32 v1, v4;
	_ =	sdelay $0x4  }
0x80: {  	[tilespmem:s26], [sflag:$0x1] =	stream.indirect_vreg.gather [hbm4b:s3+s2], $0x80, v4, vm0, $0xb8;
	[tilespmem:$0x10200] =	vst v63  }
0x81: {  	v3 =	vperm.xlane v3, v2  }
0x82: {  	[tilespmem:s21], [sflag:$0x1] =	stream.indirect_vreg.gather [hbm4b:s4+s2], $0x80, v4, vm0, $0xb8;
	[tilespmem:$0x10200] =	vst v63  }
0x83: {  	v3 =	vadd.s32 v1, v3  }
0x84: {  	[tilespmem:s22], [sflag:$0x1] =	stream.indirect_vreg.gather [hbm4b:s5+s2], $0x80, v4, vm0, $0xb8;
	[tilespmem:$0x10200] =	vst v63  }
0x85: {  	_ = 	snop  }
0x86: {  	[tilespmem:s23], [sflag:$0x1] =	stream.indirect_vreg.gather [hbm4b:s6+s2], $0x80, v4, vm0, $0xb8;
	[tilespmem:$0x10200] =	vst v63  }
0x87: {  	_ = 	snop  }
0x88: {  	[tilespmem:s24], [sflag:$0x1] =	stream.indirect_vreg.gather [hbm4b:s3+s2], $0x80, v3, vm0, $0xb8;
	[tilespmem:$0x10200] =	vst v63  }
0x89: {  	_ = 	snop  }
0x8a: {  	[tilespmem:s28], [sflag:$0x1] =	stream.indirect_vreg.gather [hbm4b:s4+s2], $0x80, v3, vm0, $0xb8;
	[tilespmem:$0x10200] =	vst v63  }
0x8b: {  	_ = 	snop  }
0x8c: {  	[tilespmem:s29], [sflag:$0x1] =	stream.indirect_vreg.gather [hbm4b:s5+s2], $0x80, v3, vm0, $0xb8;
	[tilespmem:$0x10200] =	vst v63  }
0x8d: {  	_ = 	snop  }
0x8e: {  	[tilespmem:s30], [sflag:$0x1] =	stream.indirect_vreg.gather [hbm4b:s6+s2], $0x80, v3, vm0, $0xb8;
	[tilespmem:$0x10200] =	vst v63  }
0x8f: {  	v3 =	vld [tilespmem:$0x110];
	_ =	sdelay $0x4  }
0x90: {  	v61 =	vshll.u32 v3, $0x3  }
0x91: {  	v3 =	vand.u32 $0x7, v3;
	v4 =	vand.u32 $0xFFFFFFC0, v61  }
0x92: {  	v3 =	vor.u32 v3, v4  }
0x93: {  	v4 =	vperm.xlane v3, v0;
	_ =	sdelay $0x1  }
0x94: {  	v4 =	vadd.s32 v1, v4;
	_ =	sdelay $0x4  }
0x95: {  	[tilespmem:s31], [sflag:$0x1] =	stream.indirect_vreg.gather [hbm4b:s3+s2], $0x80, v4, vm0, $0xb8;
	[tilespmem:$0x10200] =	vst v63  }
0x96: {  	v3 =	vperm.xlane v3, v2  }
0x97: {  	[tilespmem:s8], [sflag:$0x1] =	stream.indirect_vreg.gather [hbm4b:s4+s2], $0x80, v4, vm0, $0xb8;
	[tilespmem:$0x10200] =	vst v63  }
0x98: {  	v3 =	vadd.s32 v1, v3  }
0x99: {  	[tilespmem:s1], [sflag:$0x1] =	stream.indirect_vreg.gather [hbm4b:s5+s2], $0x80, v4, vm0, $0xb8;
	[tilespmem:$0x10200] =	vst v63  }
0x9a: {  	_ = 	snop  }
0x9b: {  	[tilespmem:s10], [sflag:$0x1] =	stream.indirect_vreg.gather [hbm4b:s6+s2], $0x80, v4, vm0, $0xb8;
	[tilespmem:$0x10200] =	vst v63  }
0x9c: {  	_ = 	snop  }
0x9d: {  	[tilespmem:s11], [sflag:$0x1] =	stream.indirect_vreg.gather [hbm4b:s3+s2], $0x80, v3, vm0, $0xb8;
	[tilespmem:$0x10200] =	vst v63  }
0x9e: {  	_ = 	snop  }
0x9f: {  	[tilespmem:s12], [sflag:$0x1] =	stream.indirect_vreg.gather [hbm4b:s4+s2], $0x80, v3, vm0, $0xb8;
	[tilespmem:$0x10200] =	vst v63  }
0xa0: {  	_ = 	snop  }
0xa1: {  	[tilespmem:s13], [sflag:$0x1] =	stream.indirect_vreg.gather [hbm4b:s5+s2], $0x80, v3, vm0, $0xb8;
	[tilespmem:$0x10200] =	vst v63  }
0xa2: {  	_ = 	snop  }
0xa3: {  	[tilespmem:s14], [sflag:$0x1] =	stream.indirect_vreg.gather [hbm4b:s6+s2], $0x80, v3, vm0, $0xb8;
	[tilespmem:$0x10200] =	vst v63  }
0xa4: {  	_ =	swait.ge [sflag:s25], $0x8000  }
0xa5: {  	[sflag:s25] =	ssyncset.done $0x0  }
0xa6: {  	s1 =	rddreg [dreg:$0x6];
	[sflag:s25] =	ssyncadd.s32 $0xFFFF8000  }
0xa7: {  	[hbm4b:s1+s2] =	stream.linear.scatter [tilespmem:s26], [sflag:$0x2], $0x8000, $0x38;
	[tilespmem:$0x10200] =	vst v63  }
0xa8: {  	_ =	swait.ge [sflag:s19], $0x8000  }
0xa9: {  	[sflag:s19] =	ssyncset.done $0x0  }
0xaa: {  	[sflag:s19] =	ssyncadd.s32 $0xFFFF8000  }
0xab: {  	v3 =	vld [tilespmem:$0x180];
	_ =	sdelay $0x4  }
0xac: {  	v62 =	vshll.u32 v3, $0x3  }
0xad: {  	v3 =	vand.u32 $0x7, v3;
	v4 =	vand.u32 $0xFFFFFFC0, v62  }
0xae: {  	v3 =	vor.u32 v3, v4  }
0xaf: {  	v4 =	vperm.xlane v3, v0;
	_ =	sdelay $0x1  }
0xb0: {  	v4 =	vadd.s32 v1, v4;
	_ =	sdelay $0x4  }
0xb1: {  	[tilespmem:s0], [sflag:$0x1] =	stream.indirect_vreg.gather [hbm4b:s3+s2], $0x80, v4, vm0, $0xb8;
	[tilespmem:$0x10200] =	vst v63  }
0xb2: {  	v3 =	vperm.xlane v3, v2  }
0xb3: {  	[tilespmem:s15], [sflag:$0x1] =	stream.indirect_vreg.gather [hbm4b:s4+s2], $0x80, v4, vm0, $0xb8;
	[tilespmem:$0x10200] =	vst v63  }
0xb4: {  	v3 =	vadd.s32 v1, v3  }
0xb5: {  	[tilespmem:s16], [sflag:$0x1] =	stream.indirect_vreg.gather [hbm4b:s5+s2], $0x80, v4, vm0, $0xb8;
	[tilespmem:$0x10200] =	vst v63  }
0xb6: {  	_ = 	snop  }
0xb7: {  	[tilespmem:s17], [sflag:$0x1] =	stream.indirect_vreg.gather [hbm4b:s6+s2], $0x80, v4, vm0, $0xb8;
	[tilespmem:$0x10200] =	vst v63  }
0xb8: {  	_ = 	snop  }
0xb9: {  	[tilespmem:s18], [sflag:$0x1] =	stream.indirect_vreg.gather [hbm4b:s3+s2], $0x80, v3, vm0, $0xb8;
	[tilespmem:$0x10200] =	vst v63  }
0xba: {  	s20 =	simm.s32 $0xAA00  }
0xbb: {  	[tilespmem:s20], [sflag:$0x1] =	stream.indirect_vreg.gather [hbm4b:s4+s2], $0x80, v3, vm0, $0xb8;
	[tilespmem:$0x10200] =	vst v63  }
0xbc: {  	_ = 	snop  }
0xbd: {  	[tilespmem:s9], [sflag:$0x1] =	stream.indirect_vreg.gather [hbm4b:s5+s2], $0x80, v3, vm0, $0xb8;
	[tilespmem:$0x10200] =	vst v63  }
0xbe: {  	s20 =	simm.s32 $0xBA00  }
0xbf: {  	[tilespmem:s20], [sflag:$0x1] =	stream.indirect_vreg.gather [hbm4b:s6+s2], $0x80, v3, vm0, $0xb8;
	[tilespmem:$0x10200] =	vst v63  }
0xc0: {  	v3 =	vld [tilespmem:$0x190];
	_ =	sdelay $0x4  }
0xc1: {  	v63 =	vshll.u32 v3, $0x3  }
0xc2: {  	v3 =	vand.u32 $0x7, v3;
	v4 =	vand.u32 $0xFFFFFFC0, v63  }
0xc3: {  	v3 =	vor.u32 v3, v4  }
0xc4: {  	v4 =	vperm.xlane v3, v0;
	_ =	sdelay $0x1  }
0xc5: {  	v4 =	vadd.s32 v1, v4;
	_ =	sdelay $0x3  }
0xc6: {  	s9 =	simm.s32 $0xC200  }
0xc7: {  	[tilespmem:s9], [sflag:$0x1] =	stream.indirect_vreg.gather [hbm4b:s3+s2], $0x80, v4, vm0, $0xb8;
	[tilespmem:$0x10200] =	vst v63  }
0xc8: {  	s20 =	simm.s32 $0xCA00;
	v3 =	vperm.xlane v3, v2  }
0xc9: {  	[tilespmem:s20], [sflag:$0x1] =	stream.indirect_vreg.gather [hbm4b:s4+s2], $0x80, v4, vm0, $0xb8;
	[tilespmem:$0x10200] =	vst v63  }
0xca: {  	v3 =	vadd.s32 v1, v3;
	s9 =	simm.s32 $0xD200  }
0xcb: {  	[tilespmem:s9], [sflag:$0x1] =	stream.indirect_vreg.gather [hbm4b:s5+s2], $0x80, v4, vm0, $0xb8;
	[tilespmem:$0x10200] =	vst v63  }
0xcc: {  	s20 =	simm.s32 $0xDA00  }
0xcd: {  	[tilespmem:s20], [sflag:$0x1] =	stream.indirect_vreg.gather [hbm4b:s6+s2], $0x80, v4, vm0, $0xb8;
	[tilespmem:$0x10200] =	vst v63  }
0xce: {  	s9 =	simm.s32 $0xE200  }
0xcf: {  	[tilespmem:s9], [sflag:$0x1] =	stream.indirect_vreg.gather [hbm4b:s3+s2], $0x80, v3, vm0, $0xb8;
	[tilespmem:$0x10200] =	vst v63  }
0xd0: {  	s20 =	simm.s32 $0xEA00  }
0xd1: {  	[tilespmem:s20], [sflag:$0x1] =	stream.indirect_vreg.gather [hbm4b:s4+s2], $0x80, v3, vm0, $0xb8;
	[tilespmem:$0x10200] =	vst v63  }
0xd2: {  	s9 =	simm.s32 $0xF200  }
0xd3: {  	[tilespmem:s9], [sflag:$0x1] =	stream.indirect_vreg.gather [hbm4b:s5+s2], $0x80, v3, vm0, $0xb8;
	[tilespmem:$0x10200] =	vst v63  }
0xd4: {  	s20 =	simm.s32 $0xFA00  }
0xd5: {  	[tilespmem:s20], [sflag:$0x1] =	stream.indirect_vreg.gather [hbm4b:s6+s2], $0x80, v3, vm0, $0xb8;
	[tilespmem:$0x10200] =	vst v63  }
0xd6: {  	_ =	swait.ge [sflag:s25], $0x8000  }
0xd7: {  	[sflag:s25] =	ssyncset.done $0x0  }
0xd8: {  	s9 =	rddreg [dreg:$0x7];
	[sflag:s25] =	ssyncadd.s32 $0xFFFF8000  }
0xd9: {  	[hbm4b:s9+s2] =	stream.linear.scatter [tilespmem:s0], [sflag:$0x2], $0x8000, $0x38;
	[tilespmem:$0x10200] =	vst v63  }
0xda: {  	p0 =	sne.s32 s7, $0x1;
	_ =	swait.ge [sflag:s19], $0x8000  }
.Ltmp0:
0xdb: {  	[sflag:s19] =	ssyncset.done $0x0;
	(pc) =	sbr.rel @p0 .LBB2_1-.Ltmp0, $4  }
0xdc: {  	[sflag:s19] =	ssyncadd.s32 $0xFFFF8000  }
0xdd: {  	_ =	swait.ge [sflag:s19], $0x8000  }
0xde: {  	[sflag:s19] =	ssyncset.done $0x0  }
0xdf: {  	s7 =	sadd.s32 $0xFFFFFFFF, s7;
	[sflag:s19] =	ssyncadd.s32 $0xFFFF8000  }
0xe0: {  	_ =	sfence.sel $0x180000  }
0xe1: {  	[bflag:$0x0] =	sbarrier.arrive $0xFFFF  }
0xe2: {  	_ =	strace $0x9000004A  }
0xe3: {  	s0 =	stileid.u32;
	[bflag:$0x2] =	sbarrier.arrive $0xFFFF  }
0xe4: {  	p0 =	sne.s32 s0, $0x0;
	s0 =	rddreg [dreg:$0x2]  }
0xe5: {  	s0 =	sadd.s32 @!p0 $0x100000, s0  }
0xe6: {  	[sflag:s0] =	ssyncadd.tile.s32 @!p0 $0x1;
	_ =	shalt  }
.Lfunc_end2:
_tile_overlayer_lowered:
.L_overlay_start_2:
0xe7: {  	(tag) =	ssettag $0x2  }
0xe8: {  	s0 =	rddreg [dreg:$0x0];
	s2 =	stileid.u32  }
0xe9: {  	s1 =	rddreg [dreg:$0x1];
	p0 =	sne.s32 s2, $0x0  }
0xea: {  	s3 =	rddreg [dreg:$0x2];
	[bflag:$0x3] =	sbarrier.arrive $0xFFFF;
	s2 =	simm.s32 @!p0 $0x1C03  }
0xeb: {  	[timem:s3], [sflag:s2] =	dma.local @!p0 [hbm:s0], s1  }
0xec: {  	s0 =	simm.s32 @!p0 $0x3  }
0xed: {  	_ =	swait.ge @!p0 [sflag:s0], s1  }
0xee: {  	s1 =	ssub.s32 @!p0 $0x0, s1;
	[sflag:s0] =	ssyncset.done @!p0 $0x0  }
0xef: {  	[sflag:s0] =	ssyncadd.s32 @!p0 s1  }
0xf0: {  	[bflag:$0x3] =	sbarrier.arrive $0xFFFF  }
0xf1: {  	_ =	shalt  }

// kernel: kernel.7.cloned.1.call-start
scs
__scs_entry_jumppad:
0x0: {  	(pc) =	sbr.rel $0x88, $3  }
0x1: {  	(tag) =	ssettag $0x0;
	lr =	simm.s32 $0x1  }
0x2: {  	[smem:$0x3F86] =	sst lr;
	_ =	strace $0xD0000000  }
0x3: {  	_ = 	snop  }
0x4: {  	_ = 	snop  }
0x5: {  	_ = 	snop  }
0x6: {  	_ = 	snop  }
0x7: {  	_ = 	snop  }
__scs_overlays_trampoline_lowered:
0x8: {  	[smem:$0x3F95] =	sst s0  }
0x9: {  	[smem:$0x3F96] =	sst s1  }
0xa: {  	[smem:$0x3F97] =	sst s2  }
0xb: {  	[smem:$0x3F98] =	sst s3  }
0xc: {  	[smem:$0x3F99] =	sst s4  }
0xd: {  	[smem:$0x3F9A] =	sst s5  }
0xe: {  	[smem:$0x3F9B] =	sst s6  }
0xf: {  	[smem:$0x3F9C] =	sst s7  }
0x10: {  	[smem:$0x3F9D] =	sst s8  }
0x11: {  	[smem:$0x3F9E] =	sst s9;
	s0 =	simm.s32 @!p0 $0x0  }
0x12: {  	s1 =	sld [smem:$0x3F84];
	s0 =	simm.s32 @p0 $0x1  }
0x13: {  	[smem:$0x3F9F] =	sst s0;
	s0 =	simm.s32 @!p1 $0x0  }
0x14: {  	s2 =	sld [smem:$0x3F83];
	s0 =	simm.s32 @p1 $0x1  }
0x15: {  	[smem:$0x3FA0] =	sst s0;
	s0 =	simm.s32 @!p2 $0x0  }
0x16: {  	s3 =	sld [smem:$0x3FDB];
	s0 =	simm.s32 @p2 $0x1  }
0x17: {  	s4 =	simm.s32 $0x1BF5;
	[smem:$0x3FA2] =	sst s0  }
0x18: {  	s0 =	sld [smem:$0x3F85];
	_ =	swait.ge [sflag:s4], $0x0  }
0x19: {  	s7 =	sld [smem:$0x3F86]  }
0x1a: {  	s8 =	sadd.s32 $0xFFFFE003, lr  }
0x1b: {  	s9 =	sadd.s32 $0xFFFFFEF7, lr;
	s5 =	simm.s32 $0xFFFFFFFF;
	p2 =	slt.u32 s8, $0xFFFFF086  }
0x1c: {  	p1 =	slt.u32 s9, $0xF7A;
	s5 =	simm.s32 @!p2 $0x0  }
0x1d: {  	s5 =	simm.s32 @p1 $0x1;
	p0 =	seq.s32 s7, s2  }
0x1e: {  	s7 =	smul.u32 @!p0 $0xF7A, s2;
	p2 =	seq.s32 @!p0 s5, $0x0  }
0x1f: {  	s9 =	smul.u32 $0xF7A, s1;
	s8 =	simm.s32 @!p0 $0x1BF5;
	p2 =	por !p2, p0  }
0x20: {  	[sflag:s8] =	ssyncset.s32 @!p0 $0xFFFFF086;
	s6 =	sadd.s32 @!p0 s3, s7;
	s7 =	simm.s32 @!p0 $0x108  }
0x21: {  	s3 =	sadd.s32 s3, s9;
	s6 =	sadd.s32 @!p0 $0x88, s6;
	s7 =	simm.s32 @p2 $0x1082  }
0x22: {  	[simem:s7], [sflag:s8] =	dma.local @!p0 [hbm:s6], $0xF7A  }
0x23: {  	s9 =	sor.u32 $0xD0000000, s2;
	s6 =	simm.s32 $0x108;
	_ =	swait.ge @!p0 [sflag:s8], $0x0  }
0x24: {  	s3 =	sadd.s32 $0x88, s3;
	s6 =	simm.s32 @!p1 $0x1082;
	[sflag:s4] =	ssyncset.s32 $0xFFFFF086  }
0x25: {  	[simem:s6], [sflag:s4] =	dma.local [hbm:s3], $0xF7A  }
0x26: {  	[smem:$0x3F86] =	sst s1;
	(tag) =	ssettag s2;
	_ =	strace s9  }
0x27: {  	s1 =	sld [smem:$0x3F96]  }
0x28: {  	s2 =	sld [smem:$0x3F97]  }
0x29: {  	s4 =	sld [smem:$0x3F99]  }
0x2a: {  	p0 =	seq.s32 s5, $0x0;
	s5 =	sld [smem:$0x3F9A]  }
0x2b: {  	s6 =	sld [smem:$0x3F9B]  }
0x2c: {  	s7 =	sld [smem:$0x3F9C]  }
0x2d: {  	s3 =	simm.s32 $0x108;
	s8 =	sld [smem:$0x3F9D]  }
0x2e: {  	s3 =	simm.s32 @!p0 $0x1082;
	s9 =	sld [smem:$0x3F9E]  }
0x2f: {  	lr =	sadd.s32 s0, s3;
	s0 =	sld [smem:$0x3F95]  }
0x30: {  	s3 =	sld [smem:$0x3F98]  }
0x31: {  	[smem:$0x3FA1] =	sst s10  }
0x32: {  	s10 =	sld [smem:$0x3F9F];
	_ =	sdelay $0x3  }
0x33: {  	p0 =	seq.s32 s10, $0x1;
	s10 =	sld [smem:$0x3FA1];
	_ =	sdelay $0x3  }
0x34: {  	[smem:$0x3FA1] =	sst s10  }
0x35: {  	s10 =	sld [smem:$0x3FA0];
	_ =	sdelay $0x3  }
0x36: {  	p1 =	seq.s32 s10, $0x1;
	s10 =	sld [smem:$0x3FA1];
	_ =	sdelay $0x3  }
0x37: {  	[smem:$0x3FA1] =	sst s10  }
0x38: {  	s10 =	sld [smem:$0x3FA2]  }
0x39: {  	_ = 	snop;
	(pc) =	sbr.ind lr, $3  }
0x3a: {  	_ = 	snop  }
0x3b: {  	_ = 	snop  }
0x3c: {  	p2 =	seq.s32 s10, $0x1;
	s10 =	sld [smem:$0x3FA1]  }
0x3d: {  	_ =	shalt  }
0x3e: {  	_ =	shalt  }
0x3f: {  	_ =	shalt  }
0x40: {  	_ =	shalt  }
0x41: {  	_ =	shalt  }
0x42: {  	_ =	shalt  }
0x43: {  	_ =	shalt  }
0x44: {  	_ =	shalt  }
0x45: {  	_ =	shalt  }
0x46: {  	_ =	shalt  }
0x47: {  	_ =	shalt  }
0x48: {  	_ =	shalt  }
0x49: {  	_ =	shalt  }
0x4a: {  	_ =	shalt  }
0x4b: {  	_ =	shalt  }
0x4c: {  	_ =	shalt  }
0x4d: {  	_ =	shalt  }
0x4e: {  	_ =	shalt  }
0x4f: {  	_ =	shalt  }
0x50: {  	_ =	shalt  }
0x51: {  	_ =	shalt  }
0x52: {  	_ =	shalt  }
0x53: {  	_ =	shalt  }
0x54: {  	_ =	shalt  }
0x55: {  	_ =	shalt  }
0x56: {  	_ =	shalt  }
0x57: {  	_ =	shalt  }
0x58: {  	_ =	shalt  }
0x59: {  	_ =	shalt  }
0x5a: {  	_ =	shalt  }
0x5b: {  	_ =	shalt  }
0x5c: {  	_ =	shalt  }
0x5d: {  	_ =	shalt  }
0x5e: {  	_ =	shalt  }
0x5f: {  	_ =	shalt  }
0x60: {  	_ =	shalt  }
0x61: {  	_ =	shalt  }
0x62: {  	_ =	shalt  }
0x63: {  	_ =	shalt  }
0x64: {  	_ =	shalt  }
0x65: {  	_ =	shalt  }
0x66: {  	_ =	shalt  }
0x67: {  	_ =	shalt  }
0x68: {  	_ =	shalt  }
0x69: {  	_ =	shalt  }
0x6a: {  	_ =	shalt  }
0x6b: {  	_ =	shalt  }
0x6c: {  	_ =	shalt  }
0x6d: {  	_ =	shalt  }
0x6e: {  	_ =	shalt  }
0x6f: {  	_ =	shalt  }
0x70: {  	_ =	shalt  }
0x71: {  	_ =	shalt  }
0x72: {  	_ =	shalt  }
0x73: {  	_ =	shalt  }
0x74: {  	_ =	shalt  }
0x75: {  	_ =	shalt  }
0x76: {  	_ =	shalt  }
0x77: {  	_ =	shalt  }
0x78: {  	_ =	shalt  }
0x79: {  	_ =	shalt  }
0x7a: {  	_ =	shalt  }
0x7b: {  	_ =	shalt  }
0x7c: {  	_ =	shalt  }
0x7d: {  	_ =	shalt  }
0x7e: {  	_ =	shalt  }
0x7f: {  	_ =	shalt  }
0x80: {  	_ =	shalt  }
0x81: {  	_ =	shalt  }
0x82: {  	_ =	shalt  }
0x83: {  	_ =	shalt  }
0x84: {  	_ =	shalt  }
0x85: {  	_ =	shalt  }
0x86: {  	_ =	shalt  }
0x87: {  	_ =	shalt  }
.Lfunc_end0:
.L_simem_size_0:
called_computation_lowered:
.L_overlay_start_0:
0x88: {  	s2 =	sld [smem:$0x3FD9]  }
0x89: {  	s3 =	sld [smem:$0x3FFE];
	_ =	sdelay $0x1  }
0x8a: {  	s1 =	srdreg.scid  }
0x8b: {  	s0 =	sand.u32 $0x1, s1  }
0x8c: {  	s14 =	sshll.u32 s0, $0xA;
	s2 =	sadd.s32 s3, s2  }
0x8d: {  	s2 =	sadd.s32 s2, s14  }
0x8e: {  	[smem:$0x3FAD] =	sst s2  }
0x8f: {  	_ = 	snop  }
0x90: {  	s2 =	sld [smem:$0x3FD0];
	_ =	sdelay $0x2  }
0x91: {  	s15 =	simm.s32 $0xA;
	s4 =	simm.s32 $0x10  }
0x92: {  	[smem:s4], [sflag:s15] =	dma.local [hbm:s2], $0x1  }
0x93: {  	_ =	swait.eq [sflag:s15], $0x1  }
0x94: {  	[sflag:s15] =	ssyncset.done $0x0  }
0x95: {  	[sflag:s15] =	ssyncadd.s32 $0xFFFFFFFF  }
0x96: {  	s16 =	sld [smem:$0x10];
	(tm) =	ssettm $0x1  }
0x97: {  	s17 =	sld [smem:$0x3FFB];
	_ =	sdelay $0x3  }
0x98: {  	_ =	strace s17  }
0x99: {  	s3 =	sld [smem:$0x3FFC];
	_ =	sdelay $0x3  }
0x9a: {  	_ =	strace s3  }
0x9b: {  	s3 =	sld [smem:$0x3FFD];
	_ =	sdelay $0x3  }
0x9c: {  	_ =	strace s3  }
0x9d: {  	_ =	strace $0x8FFFFFFF  }
0x9e: {  	s18 =	sld [smem:$0x3FDB];
	_ =	sdelay $0x1  }
0x9f: {  	s19 =	simm.s32 $_scs_section_size  }
0xa0: {  	s5 =	simm.s32 $_size__tile_overlayer_lowered;
	s6 =	simm.s32 $_tile_overlayer_lowered  }
0xa1: {  	s22 =	simm.s32 $0x1BFF;
	s21 =	sshll.u32 s6, $0x1;
	s3 =	sadd.s32 s19, s18  }
0xa2: {  	s7 =	simm.s32 $0x0;
	s20 =	sshll.u32 s5, $0x1;
	s5 =	sadd.s32 s21, s3  }
0xa3: {  	[timem:s7], [sflag:s22] =	dma.local [hbm:s5], s20  }
0xa4: {  	_ =	swait.ge [sflag:s22], s20  }
0xa5: {  	s4 =	ssub.s32 $0x0, s20;
	[sflag:s22] =	ssyncset.done $0x0  }
0xa6: {  	[sflag:s22] =	ssyncadd.s32 s4;
	_ =	sdelay $0x1  }
0xa7: {  	s23 =	simm.s32 $0x1B8B  }
0xa8: {  	_ =	swait.ge [sflag:s23], $0x1  }
0xa9: {  	[sflag:s23] =	ssyncset.done $0x0  }
0xaa: {  	s25 =	simm.s32 $0x1B8E;
	s24 =	sld [smem:$0x3FFE];
	[sflag:s23] =	ssyncadd.s32 $0xFFFFFFFF  }
0xab: {  	s26 =	simm.s32 $execute0_lowered;
	[smem:$0x3FD2] =	sst s25  }
0xac: {  	s5 =	sshll.u32 s26, $0x1;
	_ =	strace $0x80000046;
	[dreg:$0x1] =	wrdreg $0xFFFFFFFF  }
0xad: {  	s28 =	simm.s32 $_size_execute0_lowered;
	s3 =	sadd.s32 s3, s5;
	[dreg:$0x0] =	wrdreg $0x0  }
0xae: {  	s5 =	sshll.u32 s28, $0x1;
	[dreg:$0x2] =	wrdreg s3  }
0xaf: {  	[dreg:$0x3] =	wrdreg s5  }
0xb0: {  	[dreg:$0x4] =	wrdreg $0xC0  }
0xb1: {  	_ =	task [dreg:s7], $0x5FFFF  }
0xb2: {  	[dreg:$0x1] =	wrdreg $0xFFFFFFFF  }
0xb3: {  	[dreg:$0x0] =	wrdreg $0x60  }
0xb4: {  	[dreg:$0x2] =	wrdreg s24  }
0xb5: {  	[dreg:$0x3] =	wrdreg s16  }
0xb6: {  	[dreg:$0x4] =	wrdreg $0x9  }
0xb7: {  	_ =	task.clear_ibuf [dreg:s7], $0x5FFFF;
	_ =	strace $0x90000046  }
0xb8: {  	s29 =	simm.s32 $0x9;
	_ =	strace $0x80000048  }
0xb9: {  	_ =	swait.ge [sflag:s29], $0x1  }
0xba: {  	[sflag:s29] =	ssyncadd.s32 $0xFFFFFFFF  }
0xbb: {  	_ =	strace $0x90000048  }
0xbc: {  	_ =	sfence  }
0xbd: {  	s30 =	sld [smem:$0x0];
	_ =	sdelay $0x2  }
0xbe: {  	s31 =	sshll.u32 s1, $0xD;
	s1 =	sshrl.u32 s1, $0x2  }
0xbf: {  	s3 =	sand.u32 $0x4000, s31;
	s1 =	sadd.s32 s1, s30  }
0xc0: {  	s0 =	sor.u32 s3, s0;
	s1 =	sshll.u32 s1, $0x11  }
0xc1: {  	s0 =	sor.u32 s1, s0  }
0xc2: {  	s0 =	sadd.s32 $0x8F2B, s0  }
0xc3: {  	[sflag:s0] =	ssyncadd.remote.s32 $0x1  }
0xc4: {  	_ =	sfence.sel $0xFFFF  }
0xc5: {  	[dreg:$0x0] =	wrdreg $0xFFFFFFFF;
	(pc) =	sbr.abs _section_cstart, $3  }
0xc6: {  	[dreg:$0x1] =	wrdreg $0xFFFFFFFF  }
0xc7: {  	_ =	task.clear_ibuf [dreg:s7], $0x2FFFF;
	_ =	strace $0x9FFFFFFF  }
0xc8: {  	(tm) =	ssettm $0x7FFFFFFF  }
0xc9: {  	_ =	shalt  }
tec
execute0_lowered:
.L_overlay_start_1:
0x0: {  	(tag) =	ssettag $0x1  }
0x1: {  	s0 =	rddreg [dreg:$0x0]  }
0x2: {  	s7 =	rddreg [dreg:$0x1]  }
0x3: {  	s2 =	srdreg.scid;
	s1 =	stileid.u32  }
0x4: {  	s12 =	simm.s32 $0x8000;
	s13 =	simm.s32 $0x8080;
	s14 =	simm.s32 $0x8100  }
0x5: {  	s15 =	simm.s32 $0x8180;
	s16 =	simm.s32 $0x1;
	s17 =	simm.s32 $0x800  }
0x6: {  	s18 =	simm.s32 $0x1000;
	s19 =	simm.s32 $0x1800;
	s20 =	simm.s32 $0x2000  }
0x7: {  	s21 =	simm.s32 $0x2800;
	s22 =	simm.s32 $0x3000;
	s23 =	simm.s32 $0x3800  }
0x8: {  	s24 =	simm.s32 $0x4000;
	s28 =	simm.s32 $0x5800;
	s29 =	simm.s32 $0x6000  }
0x9: {  	s30 =	simm.s32 $0x6800;
	s31 =	simm.s32 $0x7000;
	s3 =	sand.u32 $0x1, s2  }
0xa: {  	s2 =	simm.s32 $0x0;
	s4 =	sshll.u32 s1, $0x6;
	s10 =	sadd.s32 $0x26D00, s0  }
0xb: {  	s5 =	sshll.u32 s3, $0x5;
	[smem:$0x7FF] =	sst s2;
	s26 =	ssub.s32 $0x2, s3  }
0xc: {  	s3 =	sadd.s32 $0x26A00, s0;
	s4 =	sor.u32 s5, s4;
	_ =	strace $0x80000047  }
0xd: {  	s9 =	sshrl.u32 s26, $0x1;
	s5 =	sshll.u32 s4, $0x7;
	s8 =	sshrl.u32 s4, $0x3  }
0xe: {  	s11 =	ssub.s32 s26, s9;
	s9 =	sadd.s32 $0x26C00, s0;
	s26 =	simm.s32 $0x5000  }
0xf: {  	s25 =	sadd.s32 s5, s0;
	s6 =	sadd.s32 s8, s0;
	s7 =	sadd.s32 s7, s8  }
0x10: {  	v2 =	vlaneseq.u32;
	s8 =	sadd.s32 $0x26B00, s0;
	s11 =	smax.u32 s11, $0x1;
	s0 =	simm.s32 $0x7800  }
0x11: {  	vm0 =	vmmov $0xffff;
	v1 =	vshrl.u32 v2, $0x3;
	s4 =	sadd.s32 $0x2400, s25;
	s5 =	sadd.s32 $0x26600, s6;
	s25 =	simm.s32 $0x4800  }
0x12: {  	v0 =	vand.u32 $0x7, v2;
	v2 =	vor.u32 $0x8, v2;
	v1 =	vmul.u32 $0x8, v1;
	[dreg:$0x3] =	wrdreg s4;
	s4 =	sadd.s32 $0x26800, s6;
	s6 =	sadd.s32 $0x26400, s6  }
.LBB2_1:
0x13: {  	s1 =	rddreg [dreg:$0x3]  }
0x14: {  	[tilespmem:s2], [sflag:$0x1] =	stream.linear.gather [hbm4b:s1+s2], $0x8000, $0x38;
	[tilespmem:$0x8200] =	vst v63  }
0x15: {  	_ = 	snop  }
0x16: {  	[tilespmem:s12], [sflag:$0x1] =	stream.linear.gather [hbm4b:s4+s2], $0x20, $0x38;
	[tilespmem:$0x8200] =	vst v63  }
0x17: {  	_ = 	snop  }
0x18: {  	[tilespmem:s13], [sflag:$0x1] =	stream.linear.gather [hbm4b:s5+s2], $0x20, $0x38;
	[tilespmem:$0x8200] =	vst v63  }
0x19: {  	_ = 	snop  }
0x1a: {  	[tilespmem:s14], [sflag:$0x1] =	stream.linear.gather [hbm4b:s6+s2], $0x20, $0x38;
	[tilespmem:$0x8200] =	vst v63  }
0x1b: {  	_ = 	snop  }
0x1c: {  	[tilespmem:s15], [sflag:$0x1] =	stream.linear.gather [hbm4b:s7+s2], $0x20, $0x38;
	[tilespmem:$0x8200] =	vst v63  }
0x1d: {  	_ =	swait.ge [sflag:s16], $0x8000  }
0x1e: {  	[sflag:s16] =	ssyncset.done $0x0  }
0x1f: {  	[sflag:s16] =	ssyncadd.s32 $0xFFFF8000  }
0x20: {  	_ =	swait.ge [sflag:s16], $0x20  }
0x21: {  	[sflag:s16] =	ssyncset.done $0x0  }
0x22: {  	[sflag:s16] =	ssyncadd.s32 $0xFFFFFFE0  }
0x23: {  	_ =	swait.ge [sflag:s16], $0x20  }
0x24: {  	[sflag:s16] =	ssyncset.done $0x0  }
0x25: {  	[sflag:s16] =	ssyncadd.s32 $0xFFFFFFE0  }
0x26: {  	_ =	swait.ge [sflag:s16], $0x20  }
0x27: {  	[sflag:s16] =	ssyncset.done $0x0  }
0x28: {  	[sflag:s16] =	ssyncadd.s32 $0xFFFFFFE0  }
0x29: {  	_ =	swait.ge [sflag:s16], $0x20  }
0x2a: {  	[sflag:s16] =	ssyncset.done $0x0  }
0x2b: {  	[sflag:s16] =	ssyncadd.s32 $0xFFFFFFE0  }
0x2c: {  	v3 =	vld [tilespmem:$0x8000];
	_ =	sdelay $0x4  }
0x2d: {  	v4 =	vshll.u32 v3, $0x3  }
0x2e: {  	v3 =	vand.u32 $0x7, v3;
	v4 =	vand.u32 $0xFFFFFFC0, v4  }
0x2f: {  	v3 =	vor.u32 v3, v4  }
0x30: {  	v4 =	vperm.xlane v3, v0;
	_ =	sdelay $0x1  }
0x31: {  	v4 =	vadd.s32 v1, v4;
	_ =	sdelay $0x4  }
0x32: {  	[hbm4b:s3+s2] =	stream.indirect_vreg.scatter [tilespmem:s2], [sflag:$0x1], $0x80, v4, vm0, $0xb8;
	[tilespmem:$0x8200] =	vst v63  }
0x33: {  	v3 =	vperm.xlane v3, v2  }
0x34: {  	[hbm4b:s8+s2] =	stream.indirect_vreg.scatter [tilespmem:s17], [sflag:$0x1], $0x80, v4, vm0, $0xb8;
	[tilespmem:$0x8200] =	vst v63  }
0x35: {  	v3 =	vadd.s32 v1, v3  }
0x36: {  	[hbm4b:s9+s2] =	stream.indirect_vreg.scatter [tilespmem:s18], [sflag:$0x1], $0x80, v4, vm0, $0xb8;
	[tilespmem:$0x8200] =	vst v63  }
0x37: {  	_ = 	snop  }
0x38: {  	[hbm4b:s10+s2] =	stream.indirect_vreg.scatter [tilespmem:s19], [sflag:$0x1], $0x80, v4, vm0, $0xb8;
	[tilespmem:$0x8200] =	vst v63  }
0x39: {  	_ = 	snop  }
0x3a: {  	[hbm4b:s3+s2] =	stream.indirect_vreg.scatter [tilespmem:s20], [sflag:$0x1], $0x80, v3, vm0, $0xb8;
	[tilespmem:$0x8200] =	vst v63  }
0x3b: {  	_ = 	snop  }
0x3c: {  	[hbm4b:s8+s2] =	stream.indirect_vreg.scatter [tilespmem:s21], [sflag:$0x1], $0x80, v3, vm0, $0xb8;
	[tilespmem:$0x8200] =	vst v63  }
0x3d: {  	_ = 	snop  }
0x3e: {  	[hbm4b:s9+s2] =	stream.indirect_vreg.scatter [tilespmem:s22], [sflag:$0x1], $0x80, v3, vm0, $0xb8;
	[tilespmem:$0x8200] =	vst v63  }
0x3f: {  	_ = 	snop  }
0x40: {  	[hbm4b:s10+s2] =	stream.indirect_vreg.scatter [tilespmem:s23], [sflag:$0x1], $0x80, v3, vm0, $0xb8;
	[tilespmem:$0x8200] =	vst v63  }
0x41: {  	v3 =	vld [tilespmem:$0x8010];
	_ =	sdelay $0x4  }
0x42: {  	v57 =	vshll.u32 v3, $0x3  }
0x43: {  	v3 =	vand.u32 $0x7, v3;
	v4 =	vand.u32 $0xFFFFFFC0, v57  }
0x44: {  	v3 =	vor.u32 v3, v4  }
0x45: {  	v4 =	vperm.xlane v3, v0;
	_ =	sdelay $0x1  }
0x46: {  	v4 =	vadd.s32 v1, v4;
	_ =	sdelay $0x4  }
0x47: {  	[hbm4b:s3+s2] =	stream.indirect_vreg.scatter [tilespmem:s24], [sflag:$0x1], $0x80, v4, vm0, $0xb8;
	[tilespmem:$0x8200] =	vst v63  }
0x48: {  	v3 =	vperm.xlane v3, v2  }
0x49: {  	[hbm4b:s8+s2] =	stream.indirect_vreg.scatter [tilespmem:s25], [sflag:$0x1], $0x80, v4, vm0, $0xb8;
	[tilespmem:$0x8200] =	vst v63  }
0x4a: {  	v3 =	vadd.s32 v1, v3  }
0x4b: {  	[hbm4b:s9+s2] =	stream.indirect_vreg.scatter [tilespmem:s26], [sflag:$0x1], $0x80, v4, vm0, $0xb8;
	[tilespmem:$0x8200] =	vst v63  }
0x4c: {  	_ = 	snop  }
0x4d: {  	[hbm4b:s10+s2] =	stream.indirect_vreg.scatter [tilespmem:s28], [sflag:$0x1], $0x80, v4, vm0, $0xb8;
	[tilespmem:$0x8200] =	vst v63  }
0x4e: {  	_ = 	snop  }
0x4f: {  	[hbm4b:s3+s2] =	stream.indirect_vreg.scatter [tilespmem:s29], [sflag:$0x1], $0x80, v3, vm0, $0xb8;
	[tilespmem:$0x8200] =	vst v63  }
0x50: {  	_ = 	snop  }
0x51: {  	[hbm4b:s8+s2] =	stream.indirect_vreg.scatter [tilespmem:s30], [sflag:$0x1], $0x80, v3, vm0, $0xb8;
	[tilespmem:$0x8200] =	vst v63  }
0x52: {  	_ = 	snop  }
0x53: {  	[hbm4b:s9+s2] =	stream.indirect_vreg.scatter [tilespmem:s31], [sflag:$0x1], $0x80, v3, vm0, $0xb8;
	[tilespmem:$0x8200] =	vst v63  }
0x54: {  	_ = 	snop  }
0x55: {  	[hbm4b:s10+s2] =	stream.indirect_vreg.scatter [tilespmem:s0], [sflag:$0x1], $0x80, v3, vm0, $0xb8;
	[tilespmem:$0x8200] =	vst v63  }
0x56: {  	v3 =	vld [tilespmem:$0x8080];
	_ =	sdelay $0x4  }
0x57: {  	v58 =	vshll.u32 v3, $0x3  }
0x58: {  	v3 =	vand.u32 $0x7, v3;
	v4 =	vand.u32 $0xFFFFFFC0, v58  }
0x59: {  	v3 =	vor.u32 v3, v4  }
0x5a: {  	v4 =	vperm.xlane v3, v0;
	_ =	sdelay $0x1  }
0x5b: {  	v4 =	vadd.s32 v1, v4;
	_ =	sdelay $0x4  }
0x5c: {  	[hbm4b:s3+s2] =	stream.indirect_vreg.scatter [tilespmem:s2], [sflag:$0x1], $0x80, v4, vm0, $0xb8;
	[tilespmem:$0x8200] =	vst v63  }
0x5d: {  	v3 =	vperm.xlane v3, v2  }
0x5e: {  	[hbm4b:s8+s2] =	stream.indirect_vreg.scatter [tilespmem:s17], [sflag:$0x1], $0x80, v4, vm0, $0xb8;
	[tilespmem:$0x8200] =	vst v63  }
0x5f: {  	v3 =	vadd.s32 v1, v3  }
0x60: {  	[hbm4b:s9+s2] =	stream.indirect_vreg.scatter [tilespmem:s18], [sflag:$0x1], $0x80, v4, vm0, $0xb8;
	[tilespmem:$0x8200] =	vst v63  }
0x61: {  	_ = 	snop  }
0x62: {  	[hbm4b:s10+s2] =	stream.indirect_vreg.scatter [tilespmem:s19], [sflag:$0x1], $0x80, v4, vm0, $0xb8;
	[tilespmem:$0x8200] =	vst v63  }
0x63: {  	_ = 	snop  }
0x64: {  	[hbm4b:s3+s2] =	stream.indirect_vreg.scatter [tilespmem:s20], [sflag:$0x1], $0x80, v3, vm0, $0xb8;
	[tilespmem:$0x8200] =	vst v63  }
0x65: {  	_ = 	snop  }
0x66: {  	[hbm4b:s8+s2] =	stream.indirect_vreg.scatter [tilespmem:s21], [sflag:$0x1], $0x80, v3, vm0, $0xb8;
	[tilespmem:$0x8200] =	vst v63  }
0x67: {  	_ = 	snop  }
0x68: {  	[hbm4b:s9+s2] =	stream.indirect_vreg.scatter [tilespmem:s22], [sflag:$0x1], $0x80, v3, vm0, $0xb8;
	[tilespmem:$0x8200] =	vst v63  }
0x69: {  	_ = 	snop  }
0x6a: {  	[hbm4b:s10+s2] =	stream.indirect_vreg.scatter [tilespmem:s23], [sflag:$0x1], $0x80, v3, vm0, $0xb8;
	[tilespmem:$0x8200] =	vst v63  }
0x6b: {  	v3 =	vld [tilespmem:$0x8090];
	_ =	sdelay $0x4  }
0x6c: {  	v59 =	vshll.u32 v3, $0x3  }
0x6d: {  	v3 =	vand.u32 $0x7, v3;
	v4 =	vand.u32 $0xFFFFFFC0, v59  }
0x6e: {  	v3 =	vor.u32 v3, v4  }
0x6f: {  	v4 =	vperm.xlane v3, v0;
	_ =	sdelay $0x1  }
0x70: {  	v4 =	vadd.s32 v1, v4;
	_ =	sdelay $0x4  }
0x71: {  	[hbm4b:s3+s2] =	stream.indirect_vreg.scatter [tilespmem:s24], [sflag:$0x1], $0x80, v4, vm0, $0xb8;
	[tilespmem:$0x8200] =	vst v63  }
0x72: {  	v3 =	vperm.xlane v3, v2  }
0x73: {  	[hbm4b:s8+s2] =	stream.indirect_vreg.scatter [tilespmem:s25], [sflag:$0x1], $0x80, v4, vm0, $0xb8;
	[tilespmem:$0x8200] =	vst v63  }
0x74: {  	v3 =	vadd.s32 v1, v3  }
0x75: {  	[hbm4b:s9+s2] =	stream.indirect_vreg.scatter [tilespmem:s26], [sflag:$0x1], $0x80, v4, vm0, $0xb8;
	[tilespmem:$0x8200] =	vst v63  }
0x76: {  	_ = 	snop  }
0x77: {  	[hbm4b:s10+s2] =	stream.indirect_vreg.scatter [tilespmem:s28], [sflag:$0x1], $0x80, v4, vm0, $0xb8;
	[tilespmem:$0x8200] =	vst v63  }
0x78: {  	_ = 	snop  }
0x79: {  	[hbm4b:s3+s2] =	stream.indirect_vreg.scatter [tilespmem:s29], [sflag:$0x1], $0x80, v3, vm0, $0xb8;
	[tilespmem:$0x8200] =	vst v63  }
0x7a: {  	_ = 	snop  }
0x7b: {  	[hbm4b:s8+s2] =	stream.indirect_vreg.scatter [tilespmem:s30], [sflag:$0x1], $0x80, v3, vm0, $0xb8;
	[tilespmem:$0x8200] =	vst v63  }
0x7c: {  	_ = 	snop  }
0x7d: {  	[hbm4b:s9+s2] =	stream.indirect_vreg.scatter [tilespmem:s31], [sflag:$0x1], $0x80, v3, vm0, $0xb8;
	[tilespmem:$0x8200] =	vst v63  }
0x7e: {  	_ = 	snop  }
0x7f: {  	[hbm4b:s10+s2] =	stream.indirect_vreg.scatter [tilespmem:s0], [sflag:$0x1], $0x80, v3, vm0, $0xb8;
	[tilespmem:$0x8200] =	vst v63  }
0x80: {  	v3 =	vld [tilespmem:$0x8100];
	_ =	sdelay $0x4  }
0x81: {  	v60 =	vshll.u32 v3, $0x3  }
0x82: {  	v3 =	vand.u32 $0x7, v3;
	v4 =	vand.u32 $0xFFFFFFC0, v60  }
0x83: {  	v3 =	vor.u32 v3, v4  }
0x84: {  	v4 =	vperm.xlane v3, v0;
	_ =	sdelay $0x1  }
0x85: {  	v4 =	vadd.s32 v1, v4;
	_ =	sdelay $0x4  }
0x86: {  	[hbm4b:s3+s2] =	stream.indirect_vreg.scatter [tilespmem:s2], [sflag:$0x1], $0x80, v4, vm0, $0xb8;
	[tilespmem:$0x8200] =	vst v63  }
0x87: {  	v3 =	vperm.xlane v3, v2  }
0x88: {  	[hbm4b:s8+s2] =	stream.indirect_vreg.scatter [tilespmem:s17], [sflag:$0x1], $0x80, v4, vm0, $0xb8;
	[tilespmem:$0x8200] =	vst v63  }
0x89: {  	v3 =	vadd.s32 v1, v3  }
0x8a: {  	[hbm4b:s9+s2] =	stream.indirect_vreg.scatter [tilespmem:s18], [sflag:$0x1], $0x80, v4, vm0, $0xb8;
	[tilespmem:$0x8200] =	vst v63  }
0x8b: {  	_ = 	snop  }
0x8c: {  	[hbm4b:s10+s2] =	stream.indirect_vreg.scatter [tilespmem:s19], [sflag:$0x1], $0x80, v4, vm0, $0xb8;
	[tilespmem:$0x8200] =	vst v63  }
0x8d: {  	_ = 	snop  }
0x8e: {  	[hbm4b:s3+s2] =	stream.indirect_vreg.scatter [tilespmem:s20], [sflag:$0x1], $0x80, v3, vm0, $0xb8;
	[tilespmem:$0x8200] =	vst v63  }
0x8f: {  	_ = 	snop  }
0x90: {  	[hbm4b:s8+s2] =	stream.indirect_vreg.scatter [tilespmem:s21], [sflag:$0x1], $0x80, v3, vm0, $0xb8;
	[tilespmem:$0x8200] =	vst v63  }
0x91: {  	_ = 	snop  }
0x92: {  	[hbm4b:s9+s2] =	stream.indirect_vreg.scatter [tilespmem:s22], [sflag:$0x1], $0x80, v3, vm0, $0xb8;
	[tilespmem:$0x8200] =	vst v63  }
0x93: {  	_ = 	snop  }
0x94: {  	[hbm4b:s10+s2] =	stream.indirect_vreg.scatter [tilespmem:s23], [sflag:$0x1], $0x80, v3, vm0, $0xb8;
	[tilespmem:$0x8200] =	vst v63  }
0x95: {  	v3 =	vld [tilespmem:$0x8110];
	_ =	sdelay $0x4  }
0x96: {  	v61 =	vshll.u32 v3, $0x3  }
0x97: {  	v3 =	vand.u32 $0x7, v3;
	v4 =	vand.u32 $0xFFFFFFC0, v61  }
0x98: {  	v3 =	vor.u32 v3, v4  }
0x99: {  	v4 =	vperm.xlane v3, v0;
	_ =	sdelay $0x1  }
0x9a: {  	v4 =	vadd.s32 v1, v4;
	_ =	sdelay $0x4  }
0x9b: {  	[hbm4b:s3+s2] =	stream.indirect_vreg.scatter [tilespmem:s24], [sflag:$0x1], $0x80, v4, vm0, $0xb8;
	[tilespmem:$0x8200] =	vst v63  }
0x9c: {  	v3 =	vperm.xlane v3, v2  }
0x9d: {  	[hbm4b:s8+s2] =	stream.indirect_vreg.scatter [tilespmem:s25], [sflag:$0x1], $0x80, v4, vm0, $0xb8;
	[tilespmem:$0x8200] =	vst v63  }
0x9e: {  	v3 =	vadd.s32 v1, v3  }
0x9f: {  	[hbm4b:s9+s2] =	stream.indirect_vreg.scatter [tilespmem:s26], [sflag:$0x1], $0x80, v4, vm0, $0xb8;
	[tilespmem:$0x8200] =	vst v63  }
0xa0: {  	_ = 	snop  }
0xa1: {  	[hbm4b:s10+s2] =	stream.indirect_vreg.scatter [tilespmem:s28], [sflag:$0x1], $0x80, v4, vm0, $0xb8;
	[tilespmem:$0x8200] =	vst v63  }
0xa2: {  	_ = 	snop  }
0xa3: {  	[hbm4b:s3+s2] =	stream.indirect_vreg.scatter [tilespmem:s29], [sflag:$0x1], $0x80, v3, vm0, $0xb8;
	[tilespmem:$0x8200] =	vst v63  }
0xa4: {  	_ = 	snop  }
0xa5: {  	[hbm4b:s8+s2] =	stream.indirect_vreg.scatter [tilespmem:s30], [sflag:$0x1], $0x80, v3, vm0, $0xb8;
	[tilespmem:$0x8200] =	vst v63  }
0xa6: {  	_ = 	snop  }
0xa7: {  	[hbm4b:s9+s2] =	stream.indirect_vreg.scatter [tilespmem:s31], [sflag:$0x1], $0x80, v3, vm0, $0xb8;
	[tilespmem:$0x8200] =	vst v63  }
0xa8: {  	_ = 	snop  }
0xa9: {  	[hbm4b:s10+s2] =	stream.indirect_vreg.scatter [tilespmem:s0], [sflag:$0x1], $0x80, v3, vm0, $0xb8;
	[tilespmem:$0x8200] =	vst v63  }
0xaa: {  	v3 =	vld [tilespmem:$0x8180];
	_ =	sdelay $0x4  }
0xab: {  	v62 =	vshll.u32 v3, $0x3  }
0xac: {  	v3 =	vand.u32 $0x7, v3;
	v4 =	vand.u32 $0xFFFFFFC0, v62  }
0xad: {  	v3 =	vor.u32 v3, v4  }
0xae: {  	v4 =	vperm.xlane v3, v0;
	_ =	sdelay $0x1  }
0xaf: {  	v4 =	vadd.s32 v1, v4;
	_ =	sdelay $0x4  }
0xb0: {  	[hbm4b:s3+s2] =	stream.indirect_vreg.scatter [tilespmem:s2], [sflag:$0x1], $0x80, v4, vm0, $0xb8;
	[tilespmem:$0x8200] =	vst v63  }
0xb1: {  	v3 =	vperm.xlane v3, v2  }
0xb2: {  	[hbm4b:s8+s2] =	stream.indirect_vreg.scatter [tilespmem:s17], [sflag:$0x1], $0x80, v4, vm0, $0xb8;
	[tilespmem:$0x8200] =	vst v63  }
0xb3: {  	v3 =	vadd.s32 v1, v3  }
0xb4: {  	[hbm4b:s9+s2] =	stream.indirect_vreg.scatter [tilespmem:s18], [sflag:$0x1], $0x80, v4, vm0, $0xb8;
	[tilespmem:$0x8200] =	vst v63  }
0xb5: {  	_ = 	snop  }
0xb6: {  	[hbm4b:s10+s2] =	stream.indirect_vreg.scatter [tilespmem:s19], [sflag:$0x1], $0x80, v4, vm0, $0xb8;
	[tilespmem:$0x8200] =	vst v63  }
0xb7: {  	_ = 	snop  }
0xb8: {  	[hbm4b:s3+s2] =	stream.indirect_vreg.scatter [tilespmem:s20], [sflag:$0x1], $0x80, v3, vm0, $0xb8;
	[tilespmem:$0x8200] =	vst v63  }
0xb9: {  	_ = 	snop  }
0xba: {  	[hbm4b:s8+s2] =	stream.indirect_vreg.scatter [tilespmem:s21], [sflag:$0x1], $0x80, v3, vm0, $0xb8;
	[tilespmem:$0x8200] =	vst v63  }
0xbb: {  	_ = 	snop  }
0xbc: {  	[hbm4b:s9+s2] =	stream.indirect_vreg.scatter [tilespmem:s22], [sflag:$0x1], $0x80, v3, vm0, $0xb8;
	[tilespmem:$0x8200] =	vst v63  }
0xbd: {  	_ = 	snop  }
0xbe: {  	[hbm4b:s10+s2] =	stream.indirect_vreg.scatter [tilespmem:s23], [sflag:$0x1], $0x80, v3, vm0, $0xb8;
	[tilespmem:$0x8200] =	vst v63  }
0xbf: {  	v3 =	vld [tilespmem:$0x8190];
	_ =	sdelay $0x4  }
0xc0: {  	v63 =	vshll.u32 v3, $0x3  }
0xc1: {  	v3 =	vand.u32 $0x7, v3;
	v4 =	vand.u32 $0xFFFFFFC0, v63  }
0xc2: {  	v3 =	vor.u32 v3, v4  }
0xc3: {  	v4 =	vperm.xlane v3, v0;
	_ =	sdelay $0x1  }
0xc4: {  	v4 =	vadd.s32 v1, v4;
	_ =	sdelay $0x4  }
0xc5: {  	[hbm4b:s3+s2] =	stream.indirect_vreg.scatter [tilespmem:s24], [sflag:$0x1], $0x80, v4, vm0, $0xb8;
	[tilespmem:$0x8200] =	vst v63  }
0xc6: {  	v3 =	vperm.xlane v3, v2  }
0xc7: {  	[hbm4b:s8+s2] =	stream.indirect_vreg.scatter [tilespmem:s25], [sflag:$0x1], $0x80, v4, vm0, $0xb8;
	[tilespmem:$0x8200] =	vst v63  }
0xc8: {  	v3 =	vadd.s32 v1, v3  }
0xc9: {  	[hbm4b:s9+s2] =	stream.indirect_vreg.scatter [tilespmem:s26], [sflag:$0x1], $0x80, v4, vm0, $0xb8;
	[tilespmem:$0x8200] =	vst v63  }
0xca: {  	_ = 	snop  }
0xcb: {  	[hbm4b:s10+s2] =	stream.indirect_vreg.scatter [tilespmem:s28], [sflag:$0x1], $0x80, v4, vm0, $0xb8;
	[tilespmem:$0x8200] =	vst v63  }
0xcc: {  	_ = 	snop  }
0xcd: {  	[hbm4b:s3+s2] =	stream.indirect_vreg.scatter [tilespmem:s29], [sflag:$0x1], $0x80, v3, vm0, $0xb8;
	[tilespmem:$0x8200] =	vst v63  }
0xce: {  	_ = 	snop  }
0xcf: {  	[hbm4b:s8+s2] =	stream.indirect_vreg.scatter [tilespmem:s30], [sflag:$0x1], $0x80, v3, vm0, $0xb8;
	[tilespmem:$0x8200] =	vst v63  }
0xd0: {  	_ = 	snop  }
0xd1: {  	[hbm4b:s9+s2] =	stream.indirect_vreg.scatter [tilespmem:s31], [sflag:$0x1], $0x80, v3, vm0, $0xb8;
	[tilespmem:$0x8200] =	vst v63  }
0xd2: {  	_ = 	snop  }
0xd3: {  	[hbm4b:s10+s2] =	stream.indirect_vreg.scatter [tilespmem:s0], [sflag:$0x1], $0x80, v3, vm0, $0xb8;
	[tilespmem:$0x8200] =	vst v63  }
0xd4: {  	_ =	swait.ge [sflag:s16], $0x8000  }
0xd5: {  	[sflag:s16] =	ssyncset.done $0x0  }
0xd6: {  	[sflag:s16] =	ssyncadd.s32 $0xFFFF8000  }
0xd7: {  	_ =	swait.ge [sflag:s16], $0x8000  }
0xd8: {  	[sflag:s16] =	ssyncset.done $0x0  }
0xd9: {  	[sflag:s16] =	ssyncadd.s32 $0xFFFF8000  }
0xda: {  	p0 =	sne.s32 s11, $0x1;
	_ =	swait.ge [sflag:s16], $0x8000  }
.Ltmp0:
0xdb: {  	[sflag:s16] =	ssyncset.done $0x0;
	(pc) =	sbr.rel @p0 .LBB2_1-.Ltmp0, $4  }
0xdc: {  	[sflag:s16] =	ssyncadd.s32 $0xFFFF8000  }
0xdd: {  	_ =	swait.ge [sflag:s16], $0x8000  }
0xde: {  	[sflag:s16] =	ssyncset.done $0x0  }
0xdf: {  	s11 =	sadd.s32 $0xFFFFFFFF, s11;
	[sflag:s16] =	ssyncadd.s32 $0xFFFF8000  }
0xe0: {  	_ =	sfence.sel $0x180000  }
0xe1: {  	[bflag:$0x0] =	sbarrier.arrive $0xFFFF  }
0xe2: {  	_ =	strace $0x90000047  }
0xe3: {  	s0 =	stileid.u32;
	[bflag:$0x2] =	sbarrier.arrive $0xFFFF  }
0xe4: {  	p0 =	sne.s32 s0, $0x0;
	s0 =	rddreg [dreg:$0x2]  }
0xe5: {  	s0 =	sadd.s32 @!p0 $0x100000, s0  }
0xe6: {  	[sflag:s0] =	ssyncadd.tile.s32 @!p0 $0x1;
	_ =	shalt  }
.Lfunc_end2:
_tile_overlayer_lowered:
.L_overlay_start_2:
0xe7: {  	(tag) =	ssettag $0x2  }
0xe8: {  	s0 =	rddreg [dreg:$0x0];
	s2 =	stileid.u32  }
0xe9: {  	s1 =	rddreg [dreg:$0x1];
	p0 =	sne.s32 s2, $0x0  }
0xea: {  	s3 =	rddreg [dreg:$0x2];
	[bflag:$0x3] =	sbarrier.arrive $0xFFFF;
	s2 =	simm.s32 @!p0 $0x1C02  }
0xeb: {  	[timem:s3], [sflag:s2] =	dma.local @!p0 [hbm:s0], s1  }
0xec: {  	s0 =	simm.s32 @!p0 $0x2  }
0xed: {  	_ =	swait.ge @!p0 [sflag:s0], s1  }
0xee: {  	s1 =	ssub.s32 @!p0 $0x0, s1;
	[sflag:s0] =	ssyncset.done @!p0 $0x0  }
0xef: {  	[sflag:s0] =	ssyncadd.s32 @!p0 s1  }
0xf0: {  	[bflag:$0x3] =	sbarrier.arrive $0xFFFF  }
0xf1: {  	_ =	shalt  }

</sc_bundles>
